<compile_context>
chip_gen: v7x
topology: tpu7x:2x2x1
jax: 0.10.2.dev20260603
libtpu: 0.0.44.dev20260713+nightly
codegen_flags: <defaults>
</compile_context>

<pallas_src>
import functools

import jax
import jax.numpy as jnp
from jax import lax
from jax.experimental import pallas as pl
from jax.experimental.pallas import tpu as pltpu
from jax.experimental.pallas import tpu_sc as plsc




def _fps_body(xyz_ref, far0_ref, cidx_ref, cxyz_ref, dist_ref, *, G):
    _, B, N = xyz_ref.shape
    x0 = xyz_ref[0]
    x1 = xyz_ref[1]
    x2 = xyz_ref[2]
    lane = jax.lax.broadcasted_iota(jnp.int32, (B, N), 1)
    giota = jax.lax.broadcasted_iota(jnp.int32, (B, G), 1)

    def body(i, carry):
        far, acc_idx, acc_c0, acc_c1, acc_c2 = carry
        sel = giota == i
        acc_idx = jnp.where(sel, far, acc_idx)
        onehot = lane == far
        c0 = jnp.sum(jnp.where(onehot, x0, 0.0), axis=1, keepdims=True)
        c1 = jnp.sum(jnp.where(onehot, x1, 0.0), axis=1, keepdims=True)
        c2 = jnp.sum(jnp.where(onehot, x2, 0.0), axis=1, keepdims=True)
        acc_c0 = jnp.where(sel, c0, acc_c0)
        acc_c1 = jnp.where(sel, c1, acc_c1)
        acc_c2 = jnp.where(sel, c2, acc_c2)
        d = (x0 - c0) ** 2
        d = d + (x1 - c1) ** 2
        d = d + (x2 - c2) ** 2
        distance = jnp.minimum(dist_ref[...], d)
        dist_ref[...] = distance
        far = jnp.argmax(distance, axis=1, keepdims=True).astype(jnp.int32)
        return far, acc_idx, acc_c0, acc_c1, acc_c2

    dist_ref[...] = jnp.full((B, N), 1e10, dtype=jnp.float32)
    zero_bg = jnp.zeros((B, G), dtype=jnp.float32)
    _, acc_idx, acc_c0, acc_c1, acc_c2 = jax.lax.fori_loop(
        0, G, body,
        (far0_ref[...], jnp.zeros((B, G), jnp.int32),
         zero_bg, zero_bg, zero_bg),
        unroll=8,
    )
    cidx_ref[...] = acc_idx
    cxyz_ref[0] = acc_c0
    cxyz_ref[1] = acc_c1
    cxyz_ref[2] = acc_c2


def _run_fps(xyz_t, far0, G):
    _, B, N = xyz_t.shape
    return pl.pallas_call(
        functools.partial(_fps_body, G=G),
        out_shape=(
            jax.ShapeDtypeStruct((B, G), jnp.int32),
            jax.ShapeDtypeStruct((3, B, G), jnp.float32),
        ),
        scratch_shapes=[pltpu.VMEM((B, N), jnp.float32)],
    )(xyz_t, far0)




def _knn_body(xyz_ref, c_ref, gidx_ref, dist_ref, *, K):
    _, _, N = xyz_ref.shape
    _, G, _ = c_ref.shape
    x0 = xyz_ref[0, 0:1, :]
    x1 = xyz_ref[0, 1:2, :]
    x2 = xyz_ref[0, 2:3, :]
    c = c_ref[0]
    c0 = c[:, 0:1]
    c1 = c[:, 1:2]
    c2 = c[:, 2:3]
    lane = jax.lax.broadcasted_iota(jnp.int32, (G, N), 1)
    dist = (c0 - x0) ** 2
    dist = dist + (c1 - x1) ** 2
    dist = dist + (c2 - x2) ** 2
    dist_ref[...] = dist

    kiota = jax.lax.broadcasted_iota(jnp.int32, (G, K), 1)

    def body(k, acc_idx):
        dist = dist_ref[...]
        idx = jnp.argmin(dist, axis=1, keepdims=True).astype(
            jnp.int32
        )
        onehot = lane == idx
        sel = kiota == k
        acc_idx = jnp.where(sel, idx, acc_idx)
        dist_ref[...] = jnp.where(onehot, jnp.inf, dist)
        return acc_idx

    acc_idx = jax.lax.fori_loop(
        0, K, body, jnp.zeros((G, K), jnp.int32), unroll=8
    )
    gidx_ref[0] = acc_idx


def _run_knn(xyz_bt, centers_bg3, K):
    B, _, N = xyz_bt.shape
    _, G, _ = centers_bg3.shape
    return pl.pallas_call(
        functools.partial(_knn_body, K=K),
        grid=(B,),
        in_specs=[
            pl.BlockSpec((1, 3, N), lambda b: (b, 0, 0)),
            pl.BlockSpec((1, G, 3), lambda b: (b, 0, 0)),
        ],
        out_specs=pl.BlockSpec((1, G, K), lambda b: (b, 0, 0)),
        out_shape=jax.ShapeDtypeStruct((B, G, K), jnp.int32),
        scratch_shapes=[pltpu.VMEM((G, N), jnp.float32)],
    )(xyz_bt, centers_bg3)




def _run_sc_gather(table_pad, gidx_global, B):
    BM = gidx_global.shape[0]
    M = BM // B
    info = plsc.get_sparse_core_info()
    NC, NS, L = info.num_cores, info.num_subcores, info.num_lanes
    NW = NC * NS
    mesh = plsc.VectorSubcoreMesh(core_axis_name="c", subcore_axis_name="s")
    CH = 128
    n_fire = 8

    @functools.partial(
        pl.kernel,
        mesh=mesh,
        out_type=jax.ShapeDtypeStruct((BM, 16), jnp.float32),
        compiler_params=pltpu.CompilerParams(use_tc_tiling_on_sc=False),
        scratch_types=[
            pltpu.VMEM((M,), jnp.int32),
            pltpu.VMEM((M, 16), jnp.float32),
            pltpu.SemaphoreType.DMA,
        ],
    )
    def sc_gather(tab_hbm, idx_hbm, out_hbm, idx_v, rows_v, sem):
        wid = lax.axis_index("s") * NC + lax.axis_index("c")

        def one_batch(b):
            pltpu.sync_copy(idx_hbm.at[pl.ds(b * M, M)], idx_v)

            def fire_group(o, _):
                base = o * (CH * n_fire)
                copies = []
                for u in range(n_fire):
                    off = base + u * CH
                    copies.append(
                        pltpu.async_copy(
                            tab_hbm.at[idx_v.at[pl.ds(off, CH)]],
                            rows_v.at[pl.ds(off, CH), :],
                            sem,
                        )
                    )
                for cp in copies:
                    cp.wait()
                return 0

            lax.fori_loop(0, M // (CH * n_fire), fire_group, 0)
            pltpu.sync_copy(rows_v, out_hbm.at[pl.ds(b * M, M), :])

        for rep in range((B + NW - 1) // NW):
            b = wid + rep * NW

            @pl.when(b < B)
            def _():
                one_batch(b)

    return sc_gather(table_pad, gidx_global)




def _gelu(x):
    return 0.5 * x * (1.0 + jax.lax.erf(x * 0.7071067811865476))


def _mlp_body(x_ref, c_ref, w1_ref, b1_ref, w2_ref, b2_ref, w3_ref, b3_ref,
              w4_ref, b4_ref, out_ref, *, K):
    x = x_ref[...]
    c = c_ref[...]
    h = (
        (x[:, 0:1] - c[:, 0:1]) * w1_ref[0:1, :]
        + (x[:, 1:2] - c[:, 1:2]) * w1_ref[1:2, :]
        + (x[:, 2:3] - c[:, 2:3]) * w1_ref[2:3, :]
        + b1_ref[...]
    )
    h = _gelu(h)
    h = jnp.dot(h, w2_ref[...], preferred_element_type=jnp.float32)
    h = _gelu(h + b2_ref[...])
    h = jnp.dot(h, w3_ref[...], preferred_element_type=jnp.float32)
    h = _gelu(h + b3_ref[...])
    h = jnp.dot(h, w4_ref[...], preferred_element_type=jnp.float32)
    h = h + b4_ref[...]
    TM, D = h.shape
    out_ref[...] = jnp.max(h.reshape(TM // K, K, D), axis=1)


def _run_mlp(x_rows, c_rows, W1, b1, W2, b2, W3, b3, W4, b4, K, TM):
    M, XW = x_rows.shape
    H = W2.shape[0]
    D = W4.shape[1]
    nt = M // TM
    full = lambda shape: pl.BlockSpec(shape, lambda m: (0, 0))
    return pl.pallas_call(
        functools.partial(_mlp_body, K=K),
        grid=(nt,),
        in_specs=[
            pl.BlockSpec((TM, XW), lambda m: (m, 0)),
            pl.BlockSpec((TM, 3), lambda m: (m, 0)),
            full((3, H)), full((1, H)),
            full((H, H)), full((1, H)),
            full((H, H)), full((1, H)),
            full((H, D)), full((1, D)),
        ],
        out_specs=pl.BlockSpec((TM // K, D), lambda m: (m, 0)),
        out_shape=jax.ShapeDtypeStruct((M // K, D), jnp.float32),
    )(x_rows, c_rows, W1, b1[None, :], W2, b2[None, :], W3, b3[None, :],
      W4, b4[None, :])




def kernel(xyz, W1, b1, W2, b2, W3, b3, W4, b4):
    B, N, _ = xyz.shape
    G = min(128, N)
    K = min(32, N)

    mean_xyz = xyz.mean(axis=1, keepdims=True)
    dist0 = ((xyz - mean_xyz) ** 2).sum(axis=-1)
    far0 = jnp.argmax(dist0, axis=1).astype(jnp.int32)[:, None]

    xyz_t = jnp.transpose(xyz, (2, 0, 1))

    cidx, cxyz = _run_fps(xyz_t, far0, G)
    centers_xyz = jnp.transpose(cxyz, (1, 2, 0))

    xyz_bt = jnp.transpose(xyz, (0, 2, 1))
    group_idx = _run_knn(xyz_bt, centers_xyz, K)

    M = G * K
    table_pad = jnp.pad(xyz.reshape(B * N, 3), ((0, 0), (0, 13)))
    crep = jnp.repeat(centers_xyz.reshape(B * G, 3), K, axis=0)
    gidx_global = (
        group_idx.reshape(B, M) + jnp.arange(B, dtype=jnp.int32)[:, None] * N
    ).reshape(B * M)
    x_rows = _run_sc_gather(table_pad, gidx_global, B)
    TM = 2048 if (B * G * K) % 2048 == 0 else K
    tokens = _run_mlp(x_rows, crep, W1, b1, W2, b2, W3, b3, W4, b4, K, TM)
    D = W4.shape[1]
    return tokens.reshape(B, G, D), centers_xyz, group_idx

# --- scband reference (transcript-rebuilt; emitter-appended) ---
"""Pipeline reference for scband-point-patch-embed-5385888989213 (READ-ONLY COPY).

The authoritative reference and input builder live on the scoring server;
editing this copy changes nothing except your own understanding.
"""

import jax, jax.numpy as jnp
import numpy as np

B = 32
N = 8192
NUM_GROUPS = 128
GROUP_SIZE = 32
EMBED_DIM = 768
HIDDEN = 512


def setup_inputs(seed: int = 0) -> dict:
    key = jax.random.key(seed)
    ks = jax.random.split(key, 9)
    xyz = jax.random.normal(ks[0], (B, N, 3), dtype=jnp.float32)
    W1 = jax.random.normal(ks[1], (3, HIDDEN), dtype=jnp.float32) * 0.05
    b1 = jnp.zeros((HIDDEN,), dtype=jnp.float32)
    W2 = jax.random.normal(ks[2], (HIDDEN, HIDDEN), dtype=jnp.float32) * 0.05
    b2 = jnp.zeros((HIDDEN,), dtype=jnp.float32)
    W3 = jax.random.normal(ks[3], (HIDDEN, HIDDEN), dtype=jnp.float32) * 0.05
    b3 = jnp.zeros((HIDDEN,), dtype=jnp.float32)
    W4 = jax.random.normal(ks[4], (HIDDEN, EMBED_DIM), dtype=jnp.float32) * 0.05
    b4 = jnp.zeros((EMBED_DIM,), dtype=jnp.float32)
    return {"xyz": xyz, "W1": W1, "b1": b1, "W2": W2, "b2": b2,
            "W3": W3, "b3": b3, "W4": W4, "b4": b4}


def farthest_point_sample(xyz, npoint):
    b, n, _ = xyz.shape
    mean_xyz = xyz.mean(axis=1, keepdims=True)
    dist0 = ((xyz - mean_xyz) ** 2).sum(axis=-1)
    farthest = jnp.argmax(dist0, axis=1)
    distance = jnp.full((b, n), 1e10, dtype=xyz.dtype)
    batch = jnp.arange(b)
    centroids = []
    for _ in range(npoint):
        centroids.append(farthest)
        centroid = xyz[batch, farthest][:, None, :]
        dist = ((xyz - centroid) ** 2).sum(axis=-1)
        distance = jnp.minimum(distance, dist)
        farthest = jnp.argmax(distance, axis=1)
    return jnp.stack(centroids, axis=1)


def reference(xyz, W1, b1, W2, b2, W3, b3, W4, b4):
    b, n, _ = xyz.shape
    G = min(NUM_GROUPS, n)
    K = min(GROUP_SIZE, n)
    # FPS center selection (no-grad in the original; indices are ints)
    center_idx = farthest_point_sample(xyz, G)  # (B, G)
    centers_xyz = jnp.take_along_axis(xyz, center_idx[:, :, None], axis=1)  # (B, G, 3)
    # kNN grouping
    dist2 = ((centers_xyz[:, :, None, :] - xyz[:, None, :, :]) ** 2).sum(axis=-1)  # (B, G, N)
    _, group_idx = jax.lax.top_k(-dist2, K)  # (B, G, K) smallest distances
    group_xyz = jnp.take_along_axis(
        xyz, group_idx.reshape(b, G * K)[:, :, None], axis=1
    ).reshape(b, G, K, 3)
    rel_xyz = group_xyz - centers_xyz[:, :, None, :]  # (B, G, K, 3)
    # MiniPointNet: 3 x (Linear + GELU) then Linear, max over K
    h = rel_xyz.reshape(b * G * K, 3)
    h = jax.nn.gelu(h @ W1 + b1, approximate=False)
    h = jax.nn.gelu(h @ W2 + b2, approximate=False)
    h = jax.nn.gelu(h @ W3 + b3, approximate=False)
    h = h @ W4 + b4
    h = h.reshape(b, G, K, EMBED_DIM)
    tokens = h.max(axis=2)  # (B, G, D)
    return tokens, centers_xyz, group_idx

if __name__ == "__main__":
    import jax
    _d = setup_inputs()
    print(jax.jit(kernel)(*tuple(_d.values())))

</pallas_src>

<mosaic_0001>
#map = affine_map<(d0, d1) -> (0, 0)>
#map1 = affine_map<(d0, d1) -> (0)>
module attributes {stable_mosaic.version = 14 : i64} {
  func.func @sc_gather(%arg0: i32, %arg1: i32, %arg2: memref<262144x16xf32, #tpu.memory_space<hbm>>, %arg3: memref<131072xi32, #tpu.memory_space<hbm>>, %arg4: memref<131072x16xf32, #tpu.memory_space<hbm>>, %arg5: memref<4096xi32, #tpu.memory_space<vmem>>, %arg6: memref<4096x16xf32, #tpu.memory_space<vmem>>, %arg7: memref<!tpu.dma_semaphore, #tpu.memory_space<semaphore_mem>>) attributes {dimension_semantics = [#tpu.dimension_semantics<core_parallel>, #tpu.dimension_semantics<subcore_parallel>], iteration_bounds = array<i64: 2, 16>, scalar_prefetch = 0 : i64, scratch_operands = 3 : i64, tpu.core_type = #tpu.core_type<sc_vector_subcore>, window_params = [{transform_indices = #map}, {transform_indices = #map1}, {transform_indices = #map}]} {
    %mul3A = arith.constant 2 : i32
    %mul3A_0 = arith.muli %arg1, %mul3A : i32
    %add3A = arith.addi %mul3A_0, %arg0 : i32
    %add3A_1 = arith.constant 0 : i32
    %add3A_2 = arith.addi %add3A, %add3A_1 : i32
    %lt3A = arith.constant 32 : i32
    %lt3A_3 = arith.cmpi slt, %add3A_2, %lt3A : i32
    %convert_element_type3A = arith.extui %lt3A_3 : i1 to i32
    %cond3A = arith.constant 0 : i32
    %cond3A_4 = arith.cmpi ne, %convert_element_type3A, %cond3A : i32
    scf.if %cond3A_4 {
      %mul3A_5 = arith.constant 4096 : i32
      %mul3A_6 = arith.muli %add3A_2, %mul3A_5 : i32
      "tpu.region"() ({
        %run_scoped3A = tpu.sem_alloc : memref<!tpu.dma_semaphore, #tpu.memory_space<semaphore_mem>>
        %dma_start3A = tpu.memref_slice %arg3[%mul3A_6] : memref<131072xi32, #tpu.memory_space<hbm>> -> memref<4096xi32, #tpu.memory_space<hbm>>
        %dma_start3A_15 = tpu.memref_slice %arg3[%mul3A_6] : memref<131072xi32, #tpu.memory_space<hbm>> -> memref<4096xi32, #tpu.memory_space<hbm>>
        tpu.enqueue_dma source(%dma_start3A_15 : memref<4096xi32, #tpu.memory_space<hbm>>) target(%arg5 : memref<4096xi32, #tpu.memory_space<vmem>>) target_semaphore(%run_scoped3A : memref<!tpu.dma_semaphore, #tpu.memory_space<semaphore_mem>>)
        %dma_wait3A = tpu.memref_slice %arg3[%mul3A_6] : memref<131072xi32, #tpu.memory_space<hbm>> -> memref<4096xi32, #tpu.memory_space<hbm>>
        %dma_wait3A_16 = tpu.memref_slice %arg3[%mul3A_6] : memref<131072xi32, #tpu.memory_space<hbm>> -> memref<4096xi32, #tpu.memory_space<hbm>>
        tpu.wait_dma2 semaphore(%run_scoped3A : memref<!tpu.dma_semaphore, #tpu.memory_space<semaphore_mem>>) src(%dma_wait3A_16 : memref<4096xi32, #tpu.memory_space<hbm>>) dst(%arg5 : memref<4096xi32, #tpu.memory_space<vmem>>)
        tpu.yield
      }) : () -> ()
      %scan3A = arith.constant 0 : i32
      %scan3A_7 = arith.constant 0 : i32
      %scan3A_8 = arith.constant 4 : i32
      %scan3A_9 = arith.addi %scan3A_7, %scan3A_8 : i32
      %scan3A_10 = arith.constant 1 : i32
      %scan3A_11 = scf.for %scan3A_15 = %scan3A_7 to %scan3A_9 step %scan3A_10 iter_args(%scan3A_16 = %scan3A) -> (i32)  : i32 {
        %mul3A_17 = arith.constant 1024 : i32
        %mul3A_18 = arith.muli %scan3A_15, %mul3A_17 : i32
        %add3A_19 = arith.constant 0 : i32
        %add3A_20 = arith.addi %mul3A_18, %add3A_19 : i32
        %dma_start3A = arith.constant 0 : i32
        %dma_start3A_21 = tpu.memref_slice %arg6[%add3A_20, %dma_start3A] : memref<4096x16xf32, #tpu.memory_space<vmem>> -> memref<128x16xf32, #tpu.memory_space<vmem>>
        %dma_start3A_22 = tpu.memref_slice %arg5[%add3A_20] : memref<4096xi32, #tpu.memory_space<vmem>> -> memref<128xi32, #tpu.memory_space<vmem>>
        %dma_start3A_23 = arith.constant 0 : i32
        %dma_start3A_24 = arith.constant 0 : i32
        %dma_start3A_25 = tpu.memref_slice %arg2[%dma_start3A_23, %dma_start3A_24] : memref<262144x16xf32, #tpu.memory_space<hbm>> -> memref<262144x16xf32, #tpu.memory_space<hbm>>
        tpu.enqueue_indirect_dma source(%dma_start3A_25 : memref<262144x16xf32, #tpu.memory_space<hbm>>) target(%dma_start3A_21 : memref<128x16xf32, #tpu.memory_space<vmem>>) offsets(%dma_start3A_22 : memref<128xi32, #tpu.memory_space<vmem>>) semaphore(%arg7 : memref<!tpu.dma_semaphore, #tpu.memory_space<semaphore_mem>>)
        %add3A_26 = arith.constant 128 : i32
        %add3A_27 = arith.addi %mul3A_18, %add3A_26 : i32
        %dma_start3A_28 = arith.constant 0 : i32
        %dma_start3A_29 = tpu.memref_slice %arg6[%add3A_27, %dma_start3A_28] : memref<4096x16xf32, #tpu.memory_space<vmem>> -> memref<128x16xf32, #tpu.memory_space<vmem>>
        %dma_start3A_30 = tpu.memref_slice %arg5[%add3A_27] : memref<4096xi32, #tpu.memory_space<vmem>> -> memref<128xi32, #tpu.memory_space<vmem>>
        %dma_start3A_31 = arith.constant 0 : i32
        %dma_start3A_32 = arith.constant 0 : i32
        %dma_start3A_33 = tpu.memref_slice %arg2[%dma_start3A_31, %dma_start3A_32] : memref<262144x16xf32, #tpu.memory_space<hbm>> -> memref<262144x16xf32, #tpu.memory_space<hbm>>
        tpu.enqueue_indirect_dma source(%dma_start3A_33 : memref<262144x16xf32, #tpu.memory_space<hbm>>) target(%dma_start3A_29 : memref<128x16xf32, #tpu.memory_space<vmem>>) offsets(%dma_start3A_30 : memref<128xi32, #tpu.memory_space<vmem>>) semaphore(%arg7 : memref<!tpu.dma_semaphore, #tpu.memory_space<semaphore_mem>>)
        %add3A_34 = arith.constant 256 : i32
        %add3A_35 = arith.addi %mul3A_18, %add3A_34 : i32
        %dma_start3A_36 = arith.constant 0 : i32
        %dma_start3A_37 = tpu.memref_slice %arg6[%add3A_35, %dma_start3A_36] : memref<4096x16xf32, #tpu.memory_space<vmem>> -> memref<128x16xf32, #tpu.memory_space<vmem>>
        %dma_start3A_38 = tpu.memref_slice %arg5[%add3A_35] : memref<4096xi32, #tpu.memory_space<vmem>> -> memref<128xi32, #tpu.memory_space<vmem>>
        %dma_start3A_39 = arith.constant 0 : i32
        %dma_start3A_40 = arith.constant 0 : i32
        %dma_start3A_41 = tpu.memref_slice %arg2[%dma_start3A_39, %dma_start3A_40] : memref<262144x16xf32, #tpu.memory_space<hbm>> -> memref<262144x16xf32, #tpu.memory_space<hbm>>
        tpu.enqueue_indirect_dma source(%dma_start3A_41 : memref<262144x16xf32, #tpu.memory_space<hbm>>) target(%dma_start3A_37 : memref<128x16xf32, #tpu.memory_space<vmem>>) offsets(%dma_start3A_38 : memref<128xi32, #tpu.memory_space<vmem>>) semaphore(%arg7 : memref<!tpu.dma_semaphore, #tpu.memory_space<semaphore_mem>>)
        %add3A_42 = arith.constant 384 : i32
        %add3A_43 = arith.addi %mul3A_18, %add3A_42 : i32
        %dma_start3A_44 = arith.constant 0 : i32
        %dma_start3A_45 = tpu.memref_slice %arg6[%add3A_43, %dma_start3A_44] : memref<4096x16xf32, #tpu.memory_space<vmem>> -> memref<128x16xf32, #tpu.memory_space<vmem>>
        %dma_start3A_46 = tpu.memref_slice %arg5[%add3A_43] : memref<4096xi32, #tpu.memory_space<vmem>> -> memref<128xi32, #tpu.memory_space<vmem>>
        %dma_start3A_47 = arith.constant 0 : i32
        %dma_start3A_48 = arith.constant 0 : i32
        %dma_start3A_49 = tpu.memref_slice %arg2[%dma_start3A_47, %dma_start3A_48] : memref<262144x16xf32, #tpu.memory_space<hbm>> -> memref<262144x16xf32, #tpu.memory_space<hbm>>
        tpu.enqueue_indirect_dma source(%dma_start3A_49 : memref<262144x16xf32, #tpu.memory_space<hbm>>) target(%dma_start3A_45 : memref<128x16xf32, #tpu.memory_space<vmem>>) offsets(%dma_start3A_46 : memref<128xi32, #tpu.memory_space<vmem>>) semaphore(%arg7 : memref<!tpu.dma_semaphore, #tpu.memory_space<semaphore_mem>>)
        %add3A_50 = arith.constant 512 : i32
        %add3A_51 = arith.addi %mul3A_18, %add3A_50 : i32
        %dma_start3A_52 = arith.constant 0 : i32
        %dma_start3A_53 = tpu.memref_slice %arg6[%add3A_51, %dma_start3A_52] : memref<4096x16xf32, #tpu.memory_space<vmem>> -> memref<128x16xf32, #tpu.memory_space<vmem>>
        %dma_start3A_54 = tpu.memref_slice %arg5[%add3A_51] : memref<4096xi32, #tpu.memory_space<vmem>> -> memref<128xi32, #tpu.memory_space<vmem>>
        %dma_start3A_55 = arith.constant 0 : i32
        %dma_start3A_56 = arith.constant 0 : i32
        %dma_start3A_57 = tpu.memref_slice %arg2[%dma_start3A_55, %dma_start3A_56] : memref<262144x16xf32, #tpu.memory_space<hbm>> -> memref<262144x16xf32, #tpu.memory_space<hbm>>
        tpu.enqueue_indirect_dma source(%dma_start3A_57 : memref<262144x16xf32, #tpu.memory_space<hbm>>) target(%dma_start3A_53 : memref<128x16xf32, #tpu.memory_space<vmem>>) offsets(%dma_start3A_54 : memref<128xi32, #tpu.memory_space<vmem>>) semaphore(%arg7 : memref<!tpu.dma_semaphore, #tpu.memory_space<semaphore_mem>>)
        %add3A_58 = arith.constant 640 : i32
        %add3A_59 = arith.addi %mul3A_18, %add3A_58 : i32
        %dma_start3A_60 = arith.constant 0 : i32
        %dma_start3A_61 = tpu.memref_slice %arg6[%add3A_59, %dma_start3A_60] : memref<4096x16xf32, #tpu.memory_space<vmem>> -> memref<128x16xf32, #tpu.memory_space<vmem>>
        %dma_start3A_62 = tpu.memref_slice %arg5[%add3A_59] : memref<4096xi32, #tpu.memory_space<vmem>> -> memref<128xi32, #tpu.memory_space<vmem>>
        %dma_start3A_63 = arith.constant 0 : i32
        %dma_start3A_64 = arith.constant 0 : i32
        %dma_start3A_65 = tpu.memref_slice %arg2[%dma_start3A_63, %dma_start3A_64] : memref<262144x16xf32, #tpu.memory_space<hbm>> -> memref<262144x16xf32, #tpu.memory_space<hbm>>
        tpu.enqueue_indirect_dma source(%dma_start3A_65 : memref<262144x16xf32, #tpu.memory_space<hbm>>) target(%dma_start3A_61 : memref<128x16xf32, #tpu.memory_space<vmem>>) offsets(%dma_start3A_62 : memref<128xi32, #tpu.memory_space<vmem>>) semaphore(%arg7 : memref<!tpu.dma_semaphore, #tpu.memory_space<semaphore_mem>>)
        %add3A_66 = arith.constant 768 : i32
        %add3A_67 = arith.addi %mul3A_18, %add3A_66 : i32
        %dma_start3A_68 = arith.constant 0 : i32
        %dma_start3A_69 = tpu.memref_slice %arg6[%add3A_67, %dma_start3A_68] : memref<4096x16xf32, #tpu.memory_space<vmem>> -> memref<128x16xf32, #tpu.memory_space<vmem>>
        %dma_start3A_70 = tpu.memref_slice %arg5[%add3A_67] : memref<4096xi32, #tpu.memory_space<vmem>> -> memref<128xi32, #tpu.memory_space<vmem>>
        %dma_start3A_71 = arith.constant 0 : i32
        %dma_start3A_72 = arith.constant 0 : i32
        %dma_start3A_73 = tpu.memref_slice %arg2[%dma_start3A_71, %dma_start3A_72] : memref<262144x16xf32, #tpu.memory_space<hbm>> -> memref<262144x16xf32, #tpu.memory_space<hbm>>
        tpu.enqueue_indirect_dma source(%dma_start3A_73 : memref<262144x16xf32, #tpu.memory_space<hbm>>) target(%dma_start3A_69 : memref<128x16xf32, #tpu.memory_space<vmem>>) offsets(%dma_start3A_70 : memref<128xi32, #tpu.memory_space<vmem>>) semaphore(%arg7 : memref<!tpu.dma_semaphore, #tpu.memory_space<semaphore_mem>>)
        %add3A_74 = arith.constant 896 : i32
        %add3A_75 = arith.addi %mul3A_18, %add3A_74 : i32
        %dma_start3A_76 = arith.constant 0 : i32
        %dma_start3A_77 = tpu.memref_slice %arg6[%add3A_75, %dma_start3A_76] : memref<4096x16xf32, #tpu.memory_space<vmem>> -> memref<128x16xf32, #tpu.memory_space<vmem>>
        %dma_start3A_78 = tpu.memref_slice %arg5[%add3A_75] : memref<4096xi32, #tpu.memory_space<vmem>> -> memref<128xi32, #tpu.memory_space<vmem>>
        %dma_start3A_79 = arith.constant 0 : i32
        %dma_start3A_80 = arith.constant 0 : i32
        %dma_start3A_81 = tpu.memref_slice %arg2[%dma_start3A_79, %dma_start3A_80] : memref<262144x16xf32, #tpu.memory_space<hbm>> -> memref<262144x16xf32, #tpu.memory_space<hbm>>
        tpu.enqueue_indirect_dma source(%dma_start3A_81 : memref<262144x16xf32, #tpu.memory_space<hbm>>) target(%dma_start3A_77 : memref<128x16xf32, #tpu.memory_space<vmem>>) offsets(%dma_start3A_78 : memref<128xi32, #tpu.memory_space<vmem>>) semaphore(%arg7 : memref<!tpu.dma_semaphore, #tpu.memory_space<semaphore_mem>>)
        %dma_wait3A = arith.constant 0 : i32
        %dma_wait3A_82 = tpu.memref_slice %arg6[%add3A_20, %dma_wait3A] : memref<4096x16xf32, #tpu.memory_space<vmem>> -> memref<128x16xf32, #tpu.memory_space<vmem>>
        %dma_wait3A_83 = tpu.memref_slice %arg5[%add3A_20] : memref<4096xi32, #tpu.memory_space<vmem>> -> memref<128xi32, #tpu.memory_space<vmem>>
        %dma_wait3A_84 = arith.constant 0 : i32
        %dma_wait3A_85 = arith.constant 0 : i32
        %dma_wait3A_86 = tpu.memref_slice %arg2[%dma_wait3A_84, %dma_wait3A_85] : memref<262144x16xf32, #tpu.memory_space<hbm>> -> memref<262144x16xf32, #tpu.memory_space<hbm>>
        tpu.wait_indirect_dma semaphore(%arg7 : memref<!tpu.dma_semaphore, #tpu.memory_space<semaphore_mem>>) src(%dma_wait3A_86 : memref<262144x16xf32, #tpu.memory_space<hbm>>) dst(%dma_wait3A_82 : memref<128x16xf32, #tpu.memory_space<vmem>>)
        %dma_wait3A_87 = arith.constant 0 : i32
        %dma_wait3A_88 = tpu.memref_slice %arg6[%add3A_27, %dma_wait3A_87] : memref<4096x16xf32, #tpu.memory_space<vmem>> -> memref<128x16xf32, #tpu.memory_space<vmem>>
        %dma_wait3A_89 = tpu.memref_slice %arg5[%add3A_27] : memref<4096xi32, #tpu.memory_space<vmem>> -> memref<128xi32, #tpu.memory_space<vmem>>
        %dma_wait3A_90 = arith.constant 0 : i32
        %dma_wait3A_91 = arith.constant 0 : i32
        %dma_wait3A_92 = tpu.memref_slice %arg2[%dma_wait3A_90, %dma_wait3A_91] : memref<262144x16xf32, #tpu.memory_space<hbm>> -> memref<262144x16xf32, #tpu.memory_space<hbm>>
        tpu.wait_indirect_dma semaphore(%arg7 : memref<!tpu.dma_semaphore, #tpu.memory_space<semaphore_mem>>) src(%dma_wait3A_92 : memref<262144x16xf32, #tpu.memory_space<hbm>>) dst(%dma_wait3A_88 : memref<128x16xf32, #tpu.memory_space<vmem>>)
        %dma_wait3A_93 = arith.constant 0 : i32
        %dma_wait3A_94 = tpu.memref_slice %arg6[%add3A_35, %dma_wait3A_93] : memref<4096x16xf32, #tpu.memory_space<vmem>> -> memref<128x16xf32, #tpu.memory_space<vmem>>
        %dma_wait3A_95 = tpu.memref_slice %arg5[%add3A_35] : memref<4096xi32, #tpu.memory_space<vmem>> -> memref<128xi32, #tpu.memory_space<vmem>>
        %dma_wait3A_96 = arith.constant 0 : i32
        %dma_wait3A_97 = arith.constant 0 : i32
        %dma_wait3A_98 = tpu.memref_slice %arg2[%dma_wait3A_96, %dma_wait3A_97] : memref<262144x16xf32, #tpu.memory_space<hbm>> -> memref<262144x16xf32, #tpu.memory_space<hbm>>
        tpu.wait_indirect_dma semaphore(%arg7 : memref<!tpu.dma_semaphore, #tpu.memory_space<semaphore_mem>>) src(%dma_wait3A_98 : memref<262144x16xf32, #tpu.memory_space<hbm>>) dst(%dma_wait3A_94 : memref<128x16xf32, #tpu.memory_space<vmem>>)
        %dma_wait3A_99 = arith.constant 0 : i32
        %dma_wait3A_100 = tpu.memref_slice %arg6[%add3A_43, %dma_wait3A_99] : memref<4096x16xf32, #tpu.memory_space<vmem>> -> memref<128x16xf32, #tpu.memory_space<vmem>>
        %dma_wait3A_101 = tpu.memref_slice %arg5[%add3A_43] : memref<4096xi32, #tpu.memory_space<vmem>> -> memref<128xi32, #tpu.memory_space<vmem>>
        %dma_wait3A_102 = arith.constant 0 : i32
        %dma_wait3A_103 = arith.constant 0 : i32
        %dma_wait3A_104 = tpu.memref_slice %arg2[%dma_wait3A_102, %dma_wait3A_103] : memref<262144x16xf32, #tpu.memory_space<hbm>> -> memref<262144x16xf32, #tpu.memory_space<hbm>>
        tpu.wait_indirect_dma semaphore(%arg7 : memref<!tpu.dma_semaphore, #tpu.memory_space<semaphore_mem>>) src(%dma_wait3A_104 : memref<262144x16xf32, #tpu.memory_space<hbm>>) dst(%dma_wait3A_100 : memref<128x16xf32, #tpu.memory_space<vmem>>)
        %dma_wait3A_105 = arith.constant 0 : i32
        %dma_wait3A_106 = tpu.memref_slice %arg6[%add3A_51, %dma_wait3A_105] : memref<4096x16xf32, #tpu.memory_space<vmem>> -> memref<128x16xf32, #tpu.memory_space<vmem>>
        %dma_wait3A_107 = tpu.memref_slice %arg5[%add3A_51] : memref<4096xi32, #tpu.memory_space<vmem>> -> memref<128xi32, #tpu.memory_space<vmem>>
        %dma_wait3A_108 = arith.constant 0 : i32
        %dma_wait3A_109 = arith.constant 0 : i32
        %dma_wait3A_110 = tpu.memref_slice %arg2[%dma_wait3A_108, %dma_wait3A_109] : memref<262144x16xf32, #tpu.memory_space<hbm>> -> memref<262144x16xf32, #tpu.memory_space<hbm>>
        tpu.wait_indirect_dma semaphore(%arg7 : memref<!tpu.dma_semaphore, #tpu.memory_space<semaphore_mem>>) src(%dma_wait3A_110 : memref<262144x16xf32, #tpu.memory_space<hbm>>) dst(%dma_wait3A_106 : memref<128x16xf32, #tpu.memory_space<vmem>>)
        %dma_wait3A_111 = arith.constant 0 : i32
        %dma_wait3A_112 = tpu.memref_slice %arg6[%add3A_59, %dma_wait3A_111] : memref<4096x16xf32, #tpu.memory_space<vmem>> -> memref<128x16xf32, #tpu.memory_space<vmem>>
        %dma_wait3A_113 = tpu.memref_slice %arg5[%add3A_59] : memref<4096xi32, #tpu.memory_space<vmem>> -> memref<128xi32, #tpu.memory_space<vmem>>
        %dma_wait3A_114 = arith.constant 0 : i32
        %dma_wait3A_115 = arith.constant 0 : i32
        %dma_wait3A_116 = tpu.memref_slice %arg2[%dma_wait3A_114, %dma_wait3A_115] : memref<262144x16xf32, #tpu.memory_space<hbm>> -> memref<262144x16xf32, #tpu.memory_space<hbm>>
        tpu.wait_indirect_dma semaphore(%arg7 : memref<!tpu.dma_semaphore, #tpu.memory_space<semaphore_mem>>) src(%dma_wait3A_116 : memref<262144x16xf32, #tpu.memory_space<hbm>>) dst(%dma_wait3A_112 : memref<128x16xf32, #tpu.memory_space<vmem>>)
        %dma_wait3A_117 = arith.constant 0 : i32
        %dma_wait3A_118 = tpu.memref_slice %arg6[%add3A_67, %dma_wait3A_117] : memref<4096x16xf32, #tpu.memory_space<vmem>> -> memref<128x16xf32, #tpu.memory_space<vmem>>
        %dma_wait3A_119 = tpu.memref_slice %arg5[%add3A_67] : memref<4096xi32, #tpu.memory_space<vmem>> -> memref<128xi32, #tpu.memory_space<vmem>>
        %dma_wait3A_120 = arith.constant 0 : i32
        %dma_wait3A_121 = arith.constant 0 : i32
        %dma_wait3A_122 = tpu.memref_slice %arg2[%dma_wait3A_120, %dma_wait3A_121] : memref<262144x16xf32, #tpu.memory_space<hbm>> -> memref<262144x16xf32, #tpu.memory_space<hbm>>
        tpu.wait_indirect_dma semaphore(%arg7 : memref<!tpu.dma_semaphore, #tpu.memory_space<semaphore_mem>>) src(%dma_wait3A_122 : memref<262144x16xf32, #tpu.memory_space<hbm>>) dst(%dma_wait3A_118 : memref<128x16xf32, #tpu.memory_space<vmem>>)
        %dma_wait3A_123 = arith.constant 0 : i32
        %dma_wait3A_124 = tpu.memref_slice %arg6[%add3A_75, %dma_wait3A_123] : memref<4096x16xf32, #tpu.memory_space<vmem>> -> memref<128x16xf32, #tpu.memory_space<vmem>>
        %dma_wait3A_125 = tpu.memref_slice %arg5[%add3A_75] : memref<4096xi32, #tpu.memory_space<vmem>> -> memref<128xi32, #tpu.memory_space<vmem>>
        %dma_wait3A_126 = arith.constant 0 : i32
        %dma_wait3A_127 = arith.constant 0 : i32
        %dma_wait3A_128 = tpu.memref_slice %arg2[%dma_wait3A_126, %dma_wait3A_127] : memref<262144x16xf32, #tpu.memory_space<hbm>> -> memref<262144x16xf32, #tpu.memory_space<hbm>>
        tpu.wait_indirect_dma semaphore(%arg7 : memref<!tpu.dma_semaphore, #tpu.memory_space<semaphore_mem>>) src(%dma_wait3A_128 : memref<262144x16xf32, #tpu.memory_space<hbm>>) dst(%dma_wait3A_124 : memref<128x16xf32, #tpu.memory_space<vmem>>)
        %scan3A_129 = arith.constant 0 : i32
        scf.yield %scan3A_129 : i32
      }
      %scan3A_12 = arith.constant 4 : i32
      %mul3A_13 = arith.constant 4096 : i32
      %mul3A_14 = arith.muli %add3A_2, %mul3A_13 : i32
      "tpu.region"() ({
        %run_scoped3A = tpu.sem_alloc : memref<!tpu.dma_semaphore, #tpu.memory_space<semaphore_mem>>
        %dma_start3A = arith.constant 0 : i32
        %dma_start3A_15 = tpu.memref_slice %arg4[%mul3A_14, %dma_start3A] : memref<131072x16xf32, #tpu.memory_space<hbm>> -> memref<4096x16xf32, #tpu.memory_space<hbm>>
        %dma_start3A_16 = arith.constant 0 : i32
        %dma_start3A_17 = tpu.memref_slice %arg4[%mul3A_14, %dma_start3A_16] : memref<131072x16xf32, #tpu.memory_space<hbm>> -> memref<4096x16xf32, #tpu.memory_space<hbm>>
        tpu.enqueue_dma source(%arg6 : memref<4096x16xf32, #tpu.memory_space<vmem>>) target(%dma_start3A_17 : memref<4096x16xf32, #tpu.memory_space<hbm>>) target_semaphore(%run_scoped3A : memref<!tpu.dma_semaphore, #tpu.memory_space<semaphore_mem>>)
        %dma_wait3A = arith.constant 0 : i32
        %dma_wait3A_18 = tpu.memref_slice %arg4[%mul3A_14, %dma_wait3A] : memref<131072x16xf32, #tpu.memory_space<hbm>> -> memref<4096x16xf32, #tpu.memory_space<hbm>>
        %dma_wait3A_19 = arith.constant 0 : i32
        %dma_wait3A_20 = tpu.memref_slice %arg4[%mul3A_14, %dma_wait3A_19] : memref<131072x16xf32, #tpu.memory_space<hbm>> -> memref<4096x16xf32, #tpu.memory_space<hbm>>
        tpu.wait_dma2 semaphore(%run_scoped3A : memref<!tpu.dma_semaphore, #tpu.memory_space<semaphore_mem>>) src(%arg6 : memref<4096x16xf32, #tpu.memory_space<vmem>>) dst(%dma_wait3A_20 : memref<4096x16xf32, #tpu.memory_space<hbm>>)
        tpu.yield
      }) : () -> ()
    } else {
    }
    return
  }
}

module attributes {stable_mosaic.version = 14 : i64} {
  func.func @_fps_body(%arg0: memref<3x32x8192xf32, #tpu.memory_space<vmem>>, %arg1: memref<32x1xi32, #tpu.memory_space<vmem>>, %arg2: memref<32x128xi32, #tpu.memory_space<vmem>>, %arg3: memref<3x32x128xf32, #tpu.memory_space<vmem>>, %arg4: memref<32x8192xf32, #tpu.memory_space<vmem>>) attributes {dimension_semantics = [], scalar_prefetch = 0 : i64, scratch_operands = 1 : i64, tpu.core_type = #tpu.core_type<tc>} {
    %get3A = arith.constant 0 : index
    %get3A_0 = arith.constant 0 : index
    %get3A_1 = arith.constant 0 : index
    %get3A_2 = vector.load %arg0[%get3A, %get3A_0, %get3A_1] : memref<3x32x8192xf32, #tpu.memory_space<vmem>>, vector<1x32x8192xf32>
    %get3A_3 = vector.shape_cast %get3A_2 : vector<1x32x8192xf32> to vector<32x8192xf32>
    %get3A_4 = arith.constant 1 : index
    %get3A_5 = arith.constant 0 : index
    %get3A_6 = arith.constant 0 : index
    %get3A_7 = vector.load %arg0[%get3A_4, %get3A_5, %get3A_6] : memref<3x32x8192xf32, #tpu.memory_space<vmem>>, vector<1x32x8192xf32>
    %get3A_8 = vector.shape_cast %get3A_7 : vector<1x32x8192xf32> to vector<32x8192xf32>
    %get3A_9 = arith.constant 2 : index
    %get3A_10 = arith.constant 0 : index
    %get3A_11 = arith.constant 0 : index
    %get3A_12 = vector.load %arg0[%get3A_9, %get3A_10, %get3A_11] : memref<3x32x8192xf32, #tpu.memory_space<vmem>>, vector<1x32x8192xf32>
    %get3A_13 = vector.shape_cast %get3A_12 : vector<1x32x8192xf32> to vector<32x8192xf32>
    %iota3A = tpu.iota {dimensions = array<i32: 1>} : vector<32x8192xi32>
    %iota3A_14 = tpu.iota {dimensions = array<i32: 1>} : vector<32x128xi32>
    %broadcast_in_dim3A = arith.constant 1.000000e+10 : f32
    %broadcast_in_dim3A_15 = vector.broadcast %broadcast_in_dim3A : f32 to vector<32x8192xf32>
    %swap3A = arith.constant 0 : index
    %swap3A_16 = arith.constant 0 : index
    %swap3A_17 = vector.load %arg4[%swap3A, %swap3A_16] : memref<32x8192xf32, #tpu.memory_space<vmem>>, vector<32x8192xf32>
    tpu.vector_store %arg4[%swap3A, %swap3A_16], %broadcast_in_dim3A_15 {strides = array<i32>} : memref<32x8192xf32, #tpu.memory_space<vmem>>, vector<32x8192xf32>,
    %broadcast_in_dim3A_18 = arith.constant 0.000000e+00 : f32
    %broadcast_in_dim3A_19 = vector.broadcast %broadcast_in_dim3A_18 : f32 to vector<32x128xf32>
    %get3A_20 = arith.constant 0 : index
    %get3A_21 = arith.constant 0 : index
    %get3A_22 = vector.load %arg1[%get3A_20, %get3A_21] : memref<32x1xi32, #tpu.memory_space<vmem>>, vector<32x1xi32>
    %broadcast_in_dim3A_23 = arith.constant 0 : i32
    %broadcast_in_dim3A_24 = vector.broadcast %broadcast_in_dim3A_23 : i32 to vector<32x128xi32>
    %scan3A = arith.constant 0 : i32
    %scan3A_25 = arith.constant 128 : i32
    %scan3A_26 = arith.addi %scan3A, %scan3A_25 : i32
    %scan3A_27 = arith.constant 8 : i32
    %scan3A_28:5 = scf.for %scan3A_51 = %scan3A to %scan3A_26 step %scan3A_27 iter_args(%scan3A_52 = %get3A_22, %scan3A_53 = %broadcast_in_dim3A_24, %scan3A_54 = %broadcast_in_dim3A_19, %scan3A_55 = %broadcast_in_dim3A_19, %scan3A_56 = %broadcast_in_dim3A_19) -> (vector<32x1xi32>, vector<32x128xi32>, vector<32x128xf32>, vector<32x128xf32>, vector<32x128xf32>)  : i32 {
      %eq3A = vector.broadcast %scan3A_51 : i32 to vector<32x128xi32>
      %eq3A_57 = arith.cmpi eq, %iota3A_14, %eq3A : vector<32x128xi32>
      %broadcast_in_dim3A_58 = vector.shape_cast %scan3A_52 : vector<32x1xi32> to vector<32x1xi32>
      %broadcast_in_dim3A_59 = vector.broadcast %broadcast_in_dim3A_58 : vector<32x1xi32> to vector<32x128xi32>
      %select_n3A = arith.select %eq3A_57, %broadcast_in_dim3A_59, %scan3A_53 : vector<32x128xi1>, vector<32x128xi32>
      %eq3A_60 = vector.broadcast %scan3A_52 : vector<32x1xi32> to vector<32x8192xi32>
      %eq3A_61 = arith.cmpi eq, %iota3A, %eq3A_60 : vector<32x8192xi32>
      %jit3A = arith.constant 0.000000e+00 : f32
      %broadcast_in_dim3A_62 = vector.broadcast %jit3A : f32 to vector<32x8192xf32>
      %select_n3A_63 = arith.select %eq3A_61, %get3A_3, %broadcast_in_dim3A_62 : vector<32x8192xi1>, vector<32x8192xf32>
      %reduce_sum3A = arith.constant dense<0.000000e+00> : vector<32xf32>
      %reduce_sum3A_64 = vector.multi_reduction <add>, %select_n3A_63, %reduce_sum3A [1] : vector<32x8192xf32> to vector<32xf32>
      %broadcast_in_dim3A_65 = vector.shape_cast %reduce_sum3A_64 : vector<32xf32> to vector<32x1xf32>
      %jit3A_66 = arith.constant 0.000000e+00 : f32
      %broadcast_in_dim3A_67 = vector.broadcast %jit3A_66 : f32 to vector<32x8192xf32>
      %select_n3A_68 = arith.select %eq3A_61, %get3A_8, %broadcast_in_dim3A_67 : vector<32x8192xi1>, vector<32x8192xf32>
      %reduce_sum3A_69 = arith.constant dense<0.000000e+00> : vector<32xf32>
      %reduce_sum3A_70 = vector.multi_reduction <add>, %select_n3A_68, %reduce_sum3A_69 [1] : vector<32x8192xf32> to vector<32xf32>
      %broadcast_in_dim3A_71 = vector.shape_cast %reduce_sum3A_70 : vector<32xf32> to vector<32x1xf32>
      %jit3A_72 = arith.constant 0.000000e+00 : f32
      %broadcast_in_dim3A_73 = vector.broadcast %jit3A_72 : f32 to vector<32x8192xf32>
      %select_n3A_74 = arith.select %eq3A_61, %get3A_13, %broadcast_in_dim3A_73 : vector<32x8192xi1>, vector<32x8192xf32>
      %reduce_sum3A_75 = arith.constant dense<0.000000e+00> : vector<32xf32>
      %reduce_sum3A_76 = vector.multi_reduction <add>, %select_n3A_74, %reduce_sum3A_75 [1] : vector<32x8192xf32> to vector<32xf32>
      %broadcast_in_dim3A_77 = vector.shape_cast %reduce_sum3A_76 : vector<32xf32> to vector<32x1xf32>
      %broadcast_in_dim3A_78 = vector.shape_cast %broadcast_in_dim3A_65 : vector<32x1xf32> to vector<32x1xf32>
      %broadcast_in_dim3A_79 = vector.broadcast %broadcast_in_dim3A_78 : vector<32x1xf32> to vector<32x128xf32>
      %select_n3A_80 = arith.select %eq3A_57, %broadcast_in_dim3A_79, %scan3A_54 : vector<32x128xi1>, vector<32x128xf32>
      %broadcast_in_dim3A_81 = vector.shape_cast %broadcast_in_dim3A_71 : vector<32x1xf32> to vector<32x1xf32>
      %broadcast_in_dim3A_82 = vector.broadcast %broadcast_in_dim3A_81 : vector<32x1xf32> to vector<32x128xf32>
      %select_n3A_83 = arith.select %eq3A_57, %broadcast_in_dim3A_82, %scan3A_55 : vector<32x128xi1>, vector<32x128xf32>
      %broadcast_in_dim3A_84 = vector.shape_cast %broadcast_in_dim3A_77 : vector<32x1xf32> to vector<32x1xf32>
      %broadcast_in_dim3A_85 = vector.broadcast %broadcast_in_dim3A_84 : vector<32x1xf32> to vector<32x128xf32>
      %select_n3A_86 = arith.select %eq3A_57, %broadcast_in_dim3A_85, %scan3A_56 : vector<32x128xi1>, vector<32x128xf32>
      %sub3A = vector.broadcast %broadcast_in_dim3A_65 : vector<32x1xf32> to vector<32x8192xf32>
      %sub3A_87 = arith.subf %get3A_3, %sub3A : vector<32x8192xf32>
      %integer_pow3A = arith.mulf %sub3A_87, %sub3A_87 : vector<32x8192xf32>
      %sub3A_88 = vector.broadcast %broadcast_in_dim3A_71 : vector<32x1xf32> to vector<32x8192xf32>
      %sub3A_89 = arith.subf %get3A_8, %sub3A_88 : vector<32x8192xf32>
      %integer_pow3A_90 = arith.mulf %sub3A_89, %sub3A_89 : vector<32x8192xf32>
      %add3A = arith.addf %integer_pow3A, %integer_pow3A_90 : vector<32x8192xf32>
      %sub3A_91 = vector.broadcast %broadcast_in_dim3A_77 : vector<32x1xf32> to vector<32x8192xf32>
      %sub3A_92 = arith.subf %get3A_13, %sub3A_91 : vector<32x8192xf32>
      %integer_pow3A_93 = arith.mulf %sub3A_92, %sub3A_92 : vector<32x8192xf32>
      %add3A_94 = arith.addf %add3A, %integer_pow3A_93 : vector<32x8192xf32>
      %get3A_95 = arith.constant 0 : index
      %get3A_96 = arith.constant 0 : index
      %get3A_97 = vector.load %arg4[%get3A_95, %get3A_96] : memref<32x8192xf32, #tpu.memory_space<vmem>>, vector<32x8192xf32>
      %min3A = arith.minimumf %get3A_97, %add3A_94 : vector<32x8192xf32>
      %swap3A_98 = arith.constant 0 : index
      %swap3A_99 = arith.constant 0 : index
      %swap3A_100 = vector.load %arg4[%swap3A_98, %swap3A_99] : memref<32x8192xf32, #tpu.memory_space<vmem>>, vector<32x8192xf32>
      tpu.vector_store %arg4[%swap3A_98, %swap3A_99], %min3A {strides = array<i32>} : memref<32x8192xf32, #tpu.memory_space<vmem>>, vector<32x8192xf32>,
      %argmax3A = tpu.reduce_index %min3A {axis = 1 : i32, kind = #tpu.reduction_kind<arg_max>} : vector<32x8192xf32> -> vector<32xi32>
      %broadcast_in_dim3A_101 = vector.shape_cast %argmax3A : vector<32xi32> to vector<32x1xi32>
      %scan3A_102 = arith.constant 1 : i32
      %scan3A_103 = arith.addi %scan3A_51, %scan3A_102 : i32
      %eq3A_104 = vector.broadcast %scan3A_103 : i32 to vector<32x128xi32>
      %eq3A_105 = arith.cmpi eq, %iota3A_14, %eq3A_104 : vector<32x128xi32>
      %broadcast_in_dim3A_106 = vector.shape_cast %broadcast_in_dim3A_101 : vector<32x1xi32> to vector<32x1xi32>
      %broadcast_in_dim3A_107 = vector.broadcast %broadcast_in_dim3A_106 : vector<32x1xi32> to vector<32x128xi32>
      %select_n3A_108 = arith.select %eq3A_105, %broadcast_in_dim3A_107, %select_n3A : vector<32x128xi1>, vector<32x128xi32>
      %eq3A_109 = vector.broadcast %broadcast_in_dim3A_101 : vector<32x1xi32> to vector<32x8192xi32>
      %eq3A_110 = arith.cmpi eq, %iota3A, %eq3A_109 : vector<32x8192xi32>
      %jit3A_111 = arith.constant 0.000000e+00 : f32
      %broadcast_in_dim3A_112 = vector.broadcast %jit3A_111 : f32 to vector<32x8192xf32>
      %select_n3A_113 = arith.select %eq3A_110, %get3A_3, %broadcast_in_dim3A_112 : vector<32x8192xi1>, vector<32x8192xf32>
      %reduce_sum3A_114 = arith.constant dense<0.000000e+00> : vector<32xf32>
      %reduce_sum3A_115 = vector.multi_reduction <add>, %select_n3A_113, %reduce_sum3A_114 [1] : vector<32x8192xf32> to vector<32xf32>
      %broadcast_in_dim3A_116 = vector.shape_cast %reduce_sum3A_115 : vector<32xf32> to vector<32x1xf32>
      %jit3A_117 = arith.constant 0.000000e+00 : f32
      %broadcast_in_dim3A_118 = vector.broadcast %jit3A_117 : f32 to vector<32x8192xf32>
      %select_n3A_119 = arith.select %eq3A_110, %get3A_8, %broadcast_in_dim3A_118 : vector<32x8192xi1>, vector<32x8192xf32>
      %reduce_sum3A_120 = arith.constant dense<0.000000e+00> : vector<32xf32>
      %reduce_sum3A_121 = vector.multi_reduction <add>, %select_n3A_119, %reduce_sum3A_120 [1] : vector<32x8192xf32> to vector<32xf32>
      %broadcast_in_dim3A_122 = vector.shape_cast %reduce_sum3A_121 : vector<32xf32> to vector<32x1xf32>
      %jit3A_123 = arith.constant 0.000000e+00 : f32
      %broadcast_in_dim3A_124 = vector.broadcast %jit3A_123 : f32 to vector<32x8192xf32>
      %select_n3A_125 = arith.select %eq3A_110, %get3A_13, %broadcast_in_dim3A_124 : vector<32x8192xi1>, vector<32x8192xf32>
      %reduce_sum3A_126 = arith.constant dense<0.000000e+00> : vector<32xf32>
      %reduce_sum3A_127 = vector.multi_reduction <add>, %select_n3A_125, %reduce_sum3A_126 [1] : vector<32x8192xf32> to vector<32xf32>
      %broadcast_in_dim3A_128 = vector.shape_cast %reduce_sum3A_127 : vector<32xf32> to vector<32x1xf32>
      %broadcast_in_dim3A_129 = vector.shape_cast %broadcast_in_dim3A_116 : vector<32x1xf32> to vector<32x1xf32>
      %broadcast_in_dim3A_130 = vector.broadcast %broadcast_in_dim3A_129 : vector<32x1xf32> to vector<32x128xf32>
      %select_n3A_131 = arith.select %eq3A_105, %broadcast_in_dim3A_130, %select_n3A_80 : vector<32x128xi1>, vector<32x128xf32>
      %broadcast_in_dim3A_132 = vector.shape_cast %broadcast_in_dim3A_122 : vector<32x1xf32> to vector<32x1xf32>
      %broadcast_in_dim3A_133 = vector.broadcast %broadcast_in_dim3A_132 : vector<32x1xf32> to vector<32x128xf32>
      %select_n3A_134 = arith.select %eq3A_105, %broadcast_in_dim3A_133, %select_n3A_83 : vector<32x128xi1>, vector<32x128xf32>
      %broadcast_in_dim3A_135 = vector.shape_cast %broadcast_in_dim3A_128 : vector<32x1xf32> to vector<32x1xf32>
      %broadcast_in_dim3A_136 = vector.broadcast %broadcast_in_dim3A_135 : vector<32x1xf32> to vector<32x128xf32>
      %select_n3A_137 = arith.select %eq3A_105, %broadcast_in_dim3A_136, %select_n3A_86 : vector<32x128xi1>, vector<32x128xf32>
      %sub3A_138 = vector.broadcast %broadcast_in_dim3A_116 : vector<32x1xf32> to vector<32x8192xf32>
      %sub3A_139 = arith.subf %get3A_3, %sub3A_138 : vector<32x8192xf32>
      %integer_pow3A_140 = arith.mulf %sub3A_139, %sub3A_139 : vector<32x8192xf32>
      %sub3A_141 = vector.broadcast %broadcast_in_dim3A_122 : vector<32x1xf32> to vector<32x8192xf32>
      %sub3A_142 = arith.subf %get3A_8, %sub3A_141 : vector<32x8192xf32>
      %integer_pow3A_143 = arith.mulf %sub3A_142, %sub3A_142 : vector<32x8192xf32>
      %add3A_144 = arith.addf %integer_pow3A_140, %integer_pow3A_143 : vector<32x8192xf32>
      %sub3A_145 = vector.broadcast %broadcast_in_dim3A_128 : vector<32x1xf32> to vector<32x8192xf32>
      %sub3A_146 = arith.subf %get3A_13, %sub3A_145 : vector<32x8192xf32>
      %integer_pow3A_147 = arith.mulf %sub3A_146, %sub3A_146 : vector<32x8192xf32>
      %add3A_148 = arith.addf %add3A_144, %integer_pow3A_147 : vector<32x8192xf32>
      %get3A_149 = arith.constant 0 : index
      %get3A_150 = arith.constant 0 : index
      %get3A_151 = vector.load %arg4[%get3A_149, %get3A_150] : memref<32x8192xf32, #tpu.memory_space<vmem>>, vector<32x8192xf32>
      %min3A_152 = arith.minimumf %get3A_151, %add3A_148 : vector<32x8192xf32>
      %swap3A_153 = arith.constant 0 : index
      %swap3A_154 = arith.constant 0 : index
      %swap3A_155 = vector.load %arg4[%swap3A_153, %swap3A_154] : memref<32x8192xf32, #tpu.memory_space<vmem>>, vector<32x8192xf32>
      tpu.vector_store %arg4[%swap3A_153, %swap3A_154], %min3A_152 {strides = array<i32>} : memref<32x8192xf32, #tpu.memory_space<vmem>>, vector<32x8192xf32>,
      %argmax3A_156 = tpu.reduce_index %min3A_152 {axis = 1 : i32, kind = #tpu.reduction_kind<arg_max>} : vector<32x8192xf32> -> vector<32xi32>
      %broadcast_in_dim3A_157 = vector.shape_cast %argmax3A_156 : vector<32xi32> to vector<32x1xi32>
      %scan3A_158 = arith.constant 2 : i32
      %scan3A_159 = arith.addi %scan3A_51, %scan3A_158 : i32
      %eq3A_160 = vector.broadcast %scan3A_159 : i32 to vector<32x128xi32>
      %eq3A_161 = arith.cmpi eq, %iota3A_14, %eq3A_160 : vector<32x128xi32>
      %broadcast_in_dim3A_162 = vector.shape_cast %broadcast_in_dim3A_157 : vector<32x1xi32> to vector<32x1xi32>
      %broadcast_in_dim3A_163 = vector.broadcast %broadcast_in_dim3A_162 : vector<32x1xi32> to vector<32x128xi32>
      %select_n3A_164 = arith.select %eq3A_161, %broadcast_in_dim3A_163, %select_n3A_108 : vector<32x128xi1>, vector<32x128xi32>
      %eq3A_165 = vector.broadcast %broadcast_in_dim3A_157 : vector<32x1xi32> to vector<32x8192xi32>
      %eq3A_166 = arith.cmpi eq, %iota3A, %eq3A_165 : vector<32x8192xi32>
      %jit3A_167 = arith.constant 0.000000e+00 : f32
      %broadcast_in_dim3A_168 = vector.broadcast %jit3A_167 : f32 to vector<32x8192xf32>
      %select_n3A_169 = arith.select %eq3A_166, %get3A_3, %broadcast_in_dim3A_168 : vector<32x8192xi1>, vector<32x8192xf32>
      %reduce_sum3A_170 = arith.constant dense<0.000000e+00> : vector<32xf32>
      %reduce_sum3A_171 = vector.multi_reduction <add>, %select_n3A_169, %reduce_sum3A_170 [1] : vector<32x8192xf32> to vector<32xf32>
      %broadcast_in_dim3A_172 = vector.shape_cast %reduce_sum3A_171 : vector<32xf32> to vector<32x1xf32>
      %jit3A_173 = arith.constant 0.000000e+00 : f32
      %broadcast_in_dim3A_174 = vector.broadcast %jit3A_173 : f32 to vector<32x8192xf32>
      %select_n3A_175 = arith.select %eq3A_166, %get3A_8, %broadcast_in_dim3A_174 : vector<32x8192xi1>, vector<32x8192xf32>
      %reduce_sum3A_176 = arith.constant dense<0.000000e+00> : vector<32xf32>
      %reduce_sum3A_177 = vector.multi_reduction <add>, %select_n3A_175, %reduce_sum3A_176 [1] : vector<32x8192xf32> to vector<32xf32>
      %broadcast_in_dim3A_178 = vector.shape_cast %reduce_sum3A_177 : vector<32xf32> to vector<32x1xf32>
      %jit3A_179 = arith.constant 0.000000e+00 : f32
      %broadcast_in_dim3A_180 = vector.broadcast %jit3A_179 : f32 to vector<32x8192xf32>
      %select_n3A_181 = arith.select %eq3A_166, %get3A_13, %broadcast_in_dim3A_180 : vector<32x8192xi1>, vector<32x8192xf32>
      %reduce_sum3A_182 = arith.constant dense<0.000000e+00> : vector<32xf32>
      %reduce_sum3A_183 = vector.multi_reduction <add>, %select_n3A_181, %reduce_sum3A_182 [1] : vector<32x8192xf32> to vector<32xf32>
      %broadcast_in_dim3A_184 = vector.shape_cast %reduce_sum3A_183 : vector<32xf32> to vector<32x1xf32>
      %broadcast_in_dim3A_185 = vector.shape_cast %broadcast_in_dim3A_172 : vector<32x1xf32> to vector<32x1xf32>
      %broadcast_in_dim3A_186 = vector.broadcast %broadcast_in_dim3A_185 : vector<32x1xf32> to vector<32x128xf32>
      %select_n3A_187 = arith.select %eq3A_161, %broadcast_in_dim3A_186, %select_n3A_131 : vector<32x128xi1>, vector<32x128xf32>
      %broadcast_in_dim3A_188 = vector.shape_cast %broadcast_in_dim3A_178 : vector<32x1xf32> to vector<32x1xf32>
      %broadcast_in_dim3A_189 = vector.broadcast %broadcast_in_dim3A_188 : vector<32x1xf32> to vector<32x128xf32>
      %select_n3A_190 = arith.select %eq3A_161, %broadcast_in_dim3A_189, %select_n3A_134 : vector<32x128xi1>, vector<32x128xf32>
      %broadcast_in_dim3A_191 = vector.shape_cast %broadcast_in_dim3A_184 : vector<32x1xf32> to vector<32x1xf32>
      %broadcast_in_dim3A_192 = vector.broadcast %broadcast_in_dim3A_191 : vector<32x1xf32> to vector<32x128xf32>
      %select_n3A_193 = arith.select %eq3A_161, %broadcast_in_dim3A_192, %select_n3A_137 : vector<32x128xi1>, vector<32x128xf32>
      %sub3A_194 = vector.broadcast %broadcast_in_dim3A_172 : vector<32x1xf32> to vector<32x8192xf32>
      %sub3A_195 = arith.subf %get3A_3, %sub3A_194 : vector<32x8192xf32>
      %integer_pow3A_196 = arith.mulf %sub3A_195, %sub3A_195 : vector<32x8192xf32>
      %sub3A_197 = vector.broadcast %broadcast_in_dim3A_178 : vector<32x1xf32> to vector<32x8192xf32>
      %sub3A_198 = arith.subf %get3A_8, %sub3A_197 : vector<32x8192xf32>
      %integer_pow3A_199 = arith.mulf %sub3A_198, %sub3A_198 : vector<32x8192xf32>
      %add3A_200 = arith.addf %integer_pow3A_196, %integer_pow3A_199 : vector<32x8192xf32>
      %sub3A_201 = vector.broadcast %broadcast_in_dim3A_184 : vector<32x1xf32> to vector<32x8192xf32>
      %sub3A_202 = arith.subf %get3A_13, %sub3A_201 : vector<32x8192xf32>
      %integer_pow3A_203 = arith.mulf %sub3A_202, %sub3A_202 : vector<32x8192xf32>
      %add3A_204 = arith.addf %add3A_200, %integer_pow3A_203 : vector<32x8192xf32>
      %get3A_205 = arith.constant 0 : index
      %get3A_206 = arith.constant 0 : index
      %get3A_207 = vector.load %arg4[%get3A_205, %get3A_206] : memref<32x8192xf32, #tpu.memory_space<vmem>>, vector<32x8192xf32>
      %min3A_208 = arith.minimumf %get3A_207, %add3A_204 : vector<32x8192xf32>
      %swap3A_209 = arith.constant 0 : index
      %swap3A_210 = arith.constant 0 : index
      %swap3A_211 = vector.load %arg4[%swap3A_209, %swap3A_210] : memref<32x8192xf32, #tpu.memory_space<vmem>>, vector<32x8192xf32>
      tpu.vector_store %arg4[%swap3A_209, %swap3A_210], %min3A_208 {strides = array<i32>} : memref<32x8192xf32, #tpu.memory_space<vmem>>, vector<32x8192xf32>,
      %argmax3A_212 = tpu.reduce_index %min3A_208 {axis = 1 : i32, kind = #tpu.reduction_kind<arg_max>} : vector<32x8192xf32> -> vector<32xi32>
      %broadcast_in_dim3A_213 = vector.shape_cast %argmax3A_212 : vector<32xi32> to vector<32x1xi32>
      %scan3A_214 = arith.constant 3 : i32
      %scan3A_215 = arith.addi %scan3A_51, %scan3A_214 : i32
      %eq3A_216 = vector.broadcast %scan3A_215 : i32 to vector<32x128xi32>
      %eq3A_217 = arith.cmpi eq, %iota3A_14, %eq3A_216 : vector<32x128xi32>
      %broadcast_in_dim3A_218 = vector.shape_cast %broadcast_in_dim3A_213 : vector<32x1xi32> to vector<32x1xi32>
      %broadcast_in_dim3A_219 = vector.broadcast %broadcast_in_dim3A_218 : vector<32x1xi32> to vector<32x128xi32>
      %select_n3A_220 = arith.select %eq3A_217, %broadcast_in_dim3A_219, %select_n3A_164 : vector<32x128xi1>, vector<32x128xi32>
      %eq3A_221 = vector.broadcast %broadcast_in_dim3A_213 : vector<32x1xi32> to vector<32x8192xi32>
      %eq3A_222 = arith.cmpi eq, %iota3A, %eq3A_221 : vector<32x8192xi32>
      %jit3A_223 = arith.constant 0.000000e+00 : f32
      %broadcast_in_dim3A_224 = vector.broadcast %jit3A_223 : f32 to vector<32x8192xf32>
      %select_n3A_225 = arith.select %eq3A_222, %get3A_3, %broadcast_in_dim3A_224 : vector<32x8192xi1>, vector<32x8192xf32>
      %reduce_sum3A_226 = arith.constant dense<0.000000e+00> : vector<32xf32>
      %reduce_sum3A_227 = vector.multi_reduction <add>, %select_n3A_225, %reduce_sum3A_226 [1] : vector<32x8192xf32> to vector<32xf32>
      %broadcast_in_dim3A_228 = vector.shape_cast %reduce_sum3A_227 : vector<32xf32> to vector<32x1xf32>
      %jit3A_229 = arith.constant 0.000000e+00 : f32
      %broadcast_in_dim3A_230 = vector.broadcast %jit3A_229 : f32 to vector<32x8192xf32>
      %select_n3A_231 = arith.select %eq3A_222, %get3A_8, %broadcast_in_dim3A_230 : vector<32x8192xi1>, vector<32x8192xf32>
      %reduce_sum3A_232 = arith.constant dense<0.000000e+00> : vector<32xf32>
      %reduce_sum3A_233 = vector.multi_reduction <add>, %select_n3A_231, %reduce_sum3A_232 [1] : vector<32x8192xf32> to vector<32xf32>
      %broadcast_in_dim3A_234 = vector.shape_cast %reduce_sum3A_233 : vector<32xf32> to vector<32x1xf32>
      %jit3A_235 = arith.constant 0.000000e+00 : f32
      %broadcast_in_dim3A_236 = vector.broadcast %jit3A_235 : f32 to vector<32x8192xf32>
      %select_n3A_237 = arith.select %eq3A_222, %get3A_13, %broadcast_in_dim3A_236 : vector<32x8192xi1>, vector<32x8192xf32>
      %reduce_sum3A_238 = arith.constant dense<0.000000e+00> : vector<32xf32>
      %reduce_sum3A_239 = vector.multi_reduction <add>, %select_n3A_237, %reduce_sum3A_238 [1] : vector<32x8192xf32> to vector<32xf32>
      %broadcast_in_dim3A_240 = vector.shape_cast %reduce_sum3A_239 : vector<32xf32> to vector<32x1xf32>
      %broadcast_in_dim3A_241 = vector.shape_cast %broadcast_in_dim3A_228 : vector<32x1xf32> to vector<32x1xf32>
      %broadcast_in_dim3A_242 = vector.broadcast %broadcast_in_dim3A_241 : vector<32x1xf32> to vector<32x128xf32>
      %select_n3A_243 = arith.select %eq3A_217, %broadcast_in_dim3A_242, %select_n3A_187 : vector<32x128xi1>, vector<32x128xf32>
      %broadcast_in_dim3A_244 = vector.shape_cast %broadcast_in_dim3A_234 : vector<32x1xf32> to vector<32x1xf32>
      %broadcast_in_dim3A_245 = vector.broadcast %broadcast_in_dim3A_244 : vector<32x1xf32> to vector<32x128xf32>
      %select_n3A_246 = arith.select %eq3A_217, %broadcast_in_dim3A_245, %select_n3A_190 : vector<32x128xi1>, vector<32x128xf32>
      %broadcast_in_dim3A_247 = vector.shape_cast %broadcast_in_dim3A_240 : vector<32x1xf32> to vector<32x1xf32>
      %broadcast_in_dim3A_248 = vector.broadcast %broadcast_in_dim3A_247 : vector<32x1xf32> to vector<32x128xf32>
      %select_n3A_249 = arith.select %eq3A_217, %broadcast_in_dim3A_248, %select_n3A_193 : vector<32x128xi1>, vector<32x128xf32>
      %sub3A_250 = vector.broadcast %broadcast_in_dim3A_228 : vector<32x1xf32> to vector<32x8192xf32>
      %sub3A_251 = arith.subf %get3A_3, %sub3A_250 : vector<32x8192xf32>
      %integer_pow3A_252 = arith.mulf %sub3A_251, %sub3A_251 : vector<32x8192xf32>
      %sub3A_253 = vector.broadcast %broadcast_in_dim3A_234 : vector<32x1xf32> to vector<32x8192xf32>
      %sub3A_254 = arith.subf %get3A_8, %sub3A_253 : vector<32x8192xf32>
      %integer_pow3A_255 = arith.mulf %sub3A_254, %sub3A_254 : vector<32x8192xf32>
      %add3A_256 = arith.addf %integer_pow3A_252, %integer_pow3A_255 : vector<32x8192xf32>
      %sub3A_257 = vector.broadcast %broadcast_in_dim3A_240 : vector<32x1xf32> to vector<32x8192xf32>
      %sub3A_258 = arith.subf %get3A_13, %sub3A_257 : vector<32x8192xf32>
      %integer_pow3A_259 = arith.mulf %sub3A_258, %sub3A_258 : vector<32x8192xf32>
      %add3A_260 = arith.addf %add3A_256, %integer_pow3A_259 : vector<32x8192xf32>
      %get3A_261 = arith.constant 0 : index
      %get3A_262 = arith.constant 0 : index
      %get3A_263 = vector.load %arg4[%get3A_261, %get3A_262] : memref<32x8192xf32, #tpu.memory_space<vmem>>, vector<32x8192xf32>
      %min3A_264 = arith.minimumf %get3A_263, %add3A_260 : vector<32x8192xf32>
      %swap3A_265 = arith.constant 0 : index
      %swap3A_266 = arith.constant 0 : index
      %swap3A_267 = vector.load %arg4[%swap3A_265, %swap3A_266] : memref<32x8192xf32, #tpu.memory_space<vmem>>, vector<32x8192xf32>
      tpu.vector_store %arg4[%swap3A_265, %swap3A_266], %min3A_264 {strides = array<i32>} : memref<32x8192xf32, #tpu.memory_space<vmem>>, vector<32x8192xf32>,
      %argmax3A_268 = tpu.reduce_index %min3A_264 {axis = 1 : i32, kind = #tpu.reduction_kind<arg_max>} : vector<32x8192xf32> -> vector<32xi32>
      %broadcast_in_dim3A_269 = vector.shape_cast %argmax3A_268 : vector<32xi32> to vector<32x1xi32>
      %scan3A_270 = arith.constant 4 : i32
      %scan3A_271 = arith.addi %scan3A_51, %scan3A_270 : i32
      %eq3A_272 = vector.broadcast %scan3A_271 : i32 to vector<32x128xi32>
      %eq3A_273 = arith.cmpi eq, %iota3A_14, %eq3A_272 : vector<32x128xi32>
      %broadcast_in_dim3A_274 = vector.shape_cast %broadcast_in_dim3A_269 : vector<32x1xi32> to vector<32x1xi32>
      %broadcast_in_dim3A_275 = vector.broadcast %broadcast_in_dim3A_274 : vector<32x1xi32> to vector<32x128xi32>
      %select_n3A_276 = arith.select %eq3A_273, %broadcast_in_dim3A_275, %select_n3A_220 : vector<32x128xi1>, vector<32x128xi32>
      %eq3A_277 = vector.broadcast %broadcast_in_dim3A_269 : vector<32x1xi32> to vector<32x8192xi32>
      %eq3A_278 = arith.cmpi eq, %iota3A, %eq3A_277 : vector<32x8192xi32>
      %jit3A_279 = arith.constant 0.000000e+00 : f32
      %broadcast_in_dim3A_280 = vector.broadcast %jit3A_279 : f32 to vector<32x8192xf32>
      %select_n3A_281 = arith.select %eq3A_278, %get3A_3, %broadcast_in_dim3A_280 : vector<32x8192xi1>, vector<32x8192xf32>
      %reduce_sum3A_282 = arith.constant dense<0.000000e+00> : vector<32xf32>
      %reduce_sum3A_283 = vector.multi_reduction <add>, %select_n3A_281, %reduce_sum3A_282 [1] : vector<32x8192xf32> to vector<32xf32>
      %broadcast_in_dim3A_284 = vector.shape_cast %reduce_sum3A_283 : vector<32xf32> to vector<32x1xf32>
      %jit3A_285 = arith.constant 0.000000e+00 : f32
      %broadcast_in_dim3A_286 = vector.broadcast %jit3A_285 : f32 to vector<32x8192xf32>
      %select_n3A_287 = arith.select %eq3A_278, %get3A_8, %broadcast_in_dim3A_286 : vector<32x8192xi1>, vector<32x8192xf32>
      %reduce_sum3A_288 = arith.constant dense<0.000000e+00> : vector<32xf32>
      %reduce_sum3A_289 = vector.multi_reduction <add>, %select_n3A_287, %reduce_sum3A_288 [1] : vector<32x8192xf32> to vector<32xf32>
      %broadcast_in_dim3A_290 = vector.shape_cast %reduce_sum3A_289 : vector<32xf32> to vector<32x1xf32>
      %jit3A_291 = arith.constant 0.000000e+00 : f32
      %broadcast_in_dim3A_292 = vector.broadcast %jit3A_291 : f32 to vector<32x8192xf32>
      %select_n3A_293 = arith.select %eq3A_278, %get3A_13, %broadcast_in_dim3A_292 : vector<32x8192xi1>, vector<32x8192xf32>
      %reduce_sum3A_294 = arith.constant dense<0.000000e+00> : vector<32xf32>
      %reduce_sum3A_295 = vector.multi_reduction <add>, %select_n3A_293, %reduce_sum3A_294 [1] : vector<32x8192xf32> to vector<32xf32>
      %broadcast_in_dim3A_296 = vector.shape_cast %reduce_sum3A_295 : vector<32xf32> to vector<32x1xf32>
      %broadcast_in_dim3A_297 = vector.shape_cast %broadcast_in_dim3A_284 : vector<32x1xf32> to vector<32x1xf32>
      %broadcast_in_dim3A_298 = vector.broadcast %broadcast_in_dim3A_297 : vector<32x1xf32> to vector<32x128xf32>
      %select_n3A_299 = arith.select %eq3A_273, %broadcast_in_dim3A_298, %select_n3A_243 : vector<32x128xi1>, vector<32x128xf32>
      %broadcast_in_dim3A_300 = vector.shape_cast %broadcast_in_dim3A_290 : vector<32x1xf32> to vector<32x1xf32>
      %broadcast_in_dim3A_301 = vector.broadcast %broadcast_in_dim3A_300 : vector<32x1xf32> to vector<32x128xf32>
      %select_n3A_302 = arith.select %eq3A_273, %broadcast_in_dim3A_301, %select_n3A_246 : vector<32x128xi1>, vector<32x128xf32>
      %broadcast_in_dim3A_303 = vector.shape_cast %broadcast_in_dim3A_296 : vector<32x1xf32> to vector<32x1xf32>
      %broadcast_in_dim3A_304 = vector.broadcast %broadcast_in_dim3A_303 : vector<32x1xf32> to vector<32x128xf32>
      %select_n3A_305 = arith.select %eq3A_273, %broadcast_in_dim3A_304, %select_n3A_249 : vector<32x128xi1>, vector<32x128xf32>
      %sub3A_306 = vector.broadcast %broadcast_in_dim3A_284 : vector<32x1xf32> to vector<32x8192xf32>
      %sub3A_307 = arith.subf %get3A_3, %sub3A_306 : vector<32x8192xf32>
      %integer_pow3A_308 = arith.mulf %sub3A_307, %sub3A_307 : vector<32x8192xf32>
      %sub3A_309 = vector.broadcast %broadcast_in_dim3A_290 : vector<32x1xf32> to vector<32x8192xf32>
      %sub3A_310 = arith.subf %get3A_8, %sub3A_309 : vector<32x8192xf32>
      %integer_pow3A_311 = arith.mulf %sub3A_310, %sub3A_310 : vector<32x8192xf32>
      %add3A_312 = arith.addf %integer_pow3A_308, %integer_pow3A_311 : vector<32x8192xf32>
      %sub3A_313 = vector.broadcast %broadcast_in_dim3A_296 : vector<32x1xf32> to vector<32x8192xf32>
      %sub3A_314 = arith.subf %get3A_13, %sub3A_313 : vector<32x8192xf32>
      %integer_pow3A_315 = arith.mulf %sub3A_314, %sub3A_314 : vector<32x8192xf32>
      %add3A_316 = arith.addf %add3A_312, %integer_pow3A_315 : vector<32x8192xf32>
      %get3A_317 = arith.constant 0 : index
      %get3A_318 = arith.constant 0 : index
      %get3A_319 = vector.load %arg4[%get3A_317, %get3A_318] : memref<32x8192xf32, #tpu.memory_space<vmem>>, vector<32x8192xf32>
      %min3A_320 = arith.minimumf %get3A_319, %add3A_316 : vector<32x8192xf32>
      %swap3A_321 = arith.constant 0 : index
      %swap3A_322 = arith.constant 0 : index
      %swap3A_323 = vector.load %arg4[%swap3A_321, %swap3A_322] : memref<32x8192xf32, #tpu.memory_space<vmem>>, vector<32x8192xf32>
      tpu.vector_store %arg4[%swap3A_321, %swap3A_322], %min3A_320 {strides = array<i32>} : memref<32x8192xf32, #tpu.memory_space<vmem>>, vector<32x8192xf32>,
      %argmax3A_324 = tpu.reduce_index %min3A_320 {axis = 1 : i32, kind = #tpu.reduction_kind<arg_max>} : vector<32x8192xf32> -> vector<32xi32>
      %broadcast_in_dim3A_325 = vector.shape_cast %argmax3A_324 : vector<32xi32> to vector<32x1xi32>
      %scan3A_326 = arith.constant 5 : i32
      %scan3A_327 = arith.addi %scan3A_51, %scan3A_326 : i32
      %eq3A_328 = vector.broadcast %scan3A_327 : i32 to vector<32x128xi32>
      %eq3A_329 = arith.cmpi eq, %iota3A_14, %eq3A_328 : vector<32x128xi32>
      %broadcast_in_dim3A_330 = vector.shape_cast %broadcast_in_dim3A_325 : vector<32x1xi32> to vector<32x1xi32>
      %broadcast_in_dim3A_331 = vector.broadcast %broadcast_in_dim3A_330 : vector<32x1xi32> to vector<32x128xi32>
      %select_n3A_332 = arith.select %eq3A_329, %broadcast_in_dim3A_331, %select_n3A_276 : vector<32x128xi1>, vector<32x128xi32>
      %eq3A_333 = vector.broadcast %broadcast_in_dim3A_325 : vector<32x1xi32> to vector<32x8192xi32>
      %eq3A_334 = arith.cmpi eq, %iota3A, %eq3A_333 : vector<32x8192xi32>
      %jit3A_335 = arith.constant 0.000000e+00 : f32
      %broadcast_in_dim3A_336 = vector.broadcast %jit3A_335 : f32 to vector<32x8192xf32>
      %select_n3A_337 = arith.select %eq3A_334, %get3A_3, %broadcast_in_dim3A_336 : vector<32x8192xi1>, vector<32x8192xf32>
      %reduce_sum3A_338 = arith.constant dense<0.000000e+00> : vector<32xf32>
      %reduce_sum3A_339 = vector.multi_reduction <add>, %select_n3A_337, %reduce_sum3A_338 [1] : vector<32x8192xf32> to vector<32xf32>
      %broadcast_in_dim3A_340 = vector.shape_cast %reduce_sum3A_339 : vector<32xf32> to vector<32x1xf32>
      %jit3A_341 = arith.constant 0.000000e+00 : f32
      %broadcast_in_dim3A_342 = vector.broadcast %jit3A_341 : f32 to vector<32x8192xf32>
      %select_n3A_343 = arith.select %eq3A_334, %get3A_8, %broadcast_in_dim3A_342 : vector<32x8192xi1>, vector<32x8192xf32>
      %reduce_sum3A_344 = arith.constant dense<0.000000e+00> : vector<32xf32>
      %reduce_sum3A_345 = vector.multi_reduction <add>, %select_n3A_343, %reduce_sum3A_344 [1] : vector<32x8192xf32> to vector<32xf32>
      %broadcast_in_dim3A_346 = vector.shape_cast %reduce_sum3A_345 : vector<32xf32> to vector<32x1xf32>
      %jit3A_347 = arith.constant 0.000000e+00 : f32
      %broadcast_in_dim3A_348 = vector.broadcast %jit3A_347 : f32 to vector<32x8192xf32>
      %select_n3A_349 = arith.select %eq3A_334, %get3A_13, %broadcast_in_dim3A_348 : vector<32x8192xi1>, vector<32x8192xf32>
      %reduce_sum3A_350 = arith.constant dense<0.000000e+00> : vector<32xf32>
      %reduce_sum3A_351 = vector.multi_reduction <add>, %select_n3A_349, %reduce_sum3A_350 [1] : vector<32x8192xf32> to vector<32xf32>
      %broadcast_in_dim3A_352 = vector.shape_cast %reduce_sum3A_351 : vector<32xf32> to vector<32x1xf32>
      %broadcast_in_dim3A_353 = vector.shape_cast %broadcast_in_dim3A_340 : vector<32x1xf32> to vector<32x1xf32>
      %broadcast_in_dim3A_354 = vector.broadcast %broadcast_in_dim3A_353 : vector<32x1xf32> to vector<32x128xf32>
      %select_n3A_355 = arith.select %eq3A_329, %broadcast_in_dim3A_354, %select_n3A_299 : vector<32x128xi1>, vector<32x128xf32>
      %broadcast_in_dim3A_356 = vector.shape_cast %broadcast_in_dim3A_346 : vector<32x1xf32> to vector<32x1xf32>
      %broadcast_in_dim3A_357 = vector.broadcast %broadcast_in_dim3A_356 : vector<32x1xf32> to vector<32x128xf32>
      %select_n3A_358 = arith.select %eq3A_329, %broadcast_in_dim3A_357, %select_n3A_302 : vector<32x128xi1>, vector<32x128xf32>
      %broadcast_in_dim3A_359 = vector.shape_cast %broadcast_in_dim3A_352 : vector<32x1xf32> to vector<32x1xf32>
      %broadcast_in_dim3A_360 = vector.broadcast %broadcast_in_dim3A_359 : vector<32x1xf32> to vector<32x128xf32>
      %select_n3A_361 = arith.select %eq3A_329, %broadcast_in_dim3A_360, %select_n3A_305 : vector<32x128xi1>, vector<32x128xf32>
      %sub3A_362 = vector.broadcast %broadcast_in_dim3A_340 : vector<32x1xf32> to vector<32x8192xf32>
      %sub3A_363 = arith.subf %get3A_3, %sub3A_362 : vector<32x8192xf32>
      %integer_pow3A_364 = arith.mulf %sub3A_363, %sub3A_363 : vector<32x8192xf32>
      %sub3A_365 = vector.broadcast %broadcast_in_dim3A_346 : vector<32x1xf32> to vector<32x8192xf32>
      %sub3A_366 = arith.subf %get3A_8, %sub3A_365 : vector<32x8192xf32>
      %integer_pow3A_367 = arith.mulf %sub3A_366, %sub3A_366 : vector<32x8192xf32>
      %add3A_368 = arith.addf %integer_pow3A_364, %integer_pow3A_367 : vector<32x8192xf32>
      %sub3A_369 = vector.broadcast %broadcast_in_dim3A_352 : vector<32x1xf32> to vector<32x8192xf32>
      %sub3A_370 = arith.subf %get3A_13, %sub3A_369 : vector<32x8192xf32>
      %integer_pow3A_371 = arith.mulf %sub3A_370, %sub3A_370 : vector<32x8192xf32>
      %add3A_372 = arith.addf %add3A_368, %integer_pow3A_371 : vector<32x8192xf32>
      %get3A_373 = arith.constant 0 : index
      %get3A_374 = arith.constant 0 : index
      %get3A_375 = vector.load %arg4[%get3A_373, %get3A_374] : memref<32x8192xf32, #tpu.memory_space<vmem>>, vector<32x8192xf32>
      %min3A_376 = arith.minimumf %get3A_375, %add3A_372 : vector<32x8192xf32>
      %swap3A_377 = arith.constant 0 : index
      %swap3A_378 = arith.constant 0 : index
      %swap3A_379 = vector.load %arg4[%swap3A_377, %swap3A_378] : memref<32x8192xf32, #tpu.memory_space<vmem>>, vector<32x8192xf32>
      tpu.vector_store %arg4[%swap3A_377, %swap3A_378], %min3A_376 {strides = array<i32>} : memref<32x8192xf32, #tpu.memory_space<vmem>>, vector<32x8192xf32>,
      %argmax3A_380 = tpu.reduce_index %min3A_376 {axis = 1 : i32, kind = #tpu.reduction_kind<arg_max>} : vector<32x8192xf32> -> vector<32xi32>
      %broadcast_in_dim3A_381 = vector.shape_cast %argmax3A_380 : vector<32xi32> to vector<32x1xi32>
      %scan3A_382 = arith.constant 6 : i32
      %scan3A_383 = arith.addi %scan3A_51, %scan3A_382 : i32
      %eq3A_384 = vector.broadcast %scan3A_383 : i32 to vector<32x128xi32>
      %eq3A_385 = arith.cmpi eq, %iota3A_14, %eq3A_384 : vector<32x128xi32>
      %broadcast_in_dim3A_386 = vector.shape_cast %broadcast_in_dim3A_381 : vector<32x1xi32> to vector<32x1xi32>
      %broadcast_in_dim3A_387 = vector.broadcast %broadcast_in_dim3A_386 : vector<32x1xi32> to vector<32x128xi32>
      %select_n3A_388 = arith.select %eq3A_385, %broadcast_in_dim3A_387, %select_n3A_332 : vector<32x128xi1>, vector<32x128xi32>
      %eq3A_389 = vector.broadcast %broadcast_in_dim3A_381 : vector<32x1xi32> to vector<32x8192xi32>
      %eq3A_390 = arith.cmpi eq, %iota3A, %eq3A_389 : vector<32x8192xi32>
      %jit3A_391 = arith.constant 0.000000e+00 : f32
      %broadcast_in_dim3A_392 = vector.broadcast %jit3A_391 : f32 to vector<32x8192xf32>
      %select_n3A_393 = arith.select %eq3A_390, %get3A_3, %broadcast_in_dim3A_392 : vector<32x8192xi1>, vector<32x8192xf32>
      %reduce_sum3A_394 = arith.constant dense<0.000000e+00> : vector<32xf32>
      %reduce_sum3A_395 = vector.multi_reduction <add>, %select_n3A_393, %reduce_sum3A_394 [1] : vector<32x8192xf32> to vector<32xf32>
      %broadcast_in_dim3A_396 = vector.shape_cast %reduce_sum3A_395 : vector<32xf32> to vector<32x1xf32>
      %jit3A_397 = arith.constant 0.000000e+00 : f32
      %broadcast_in_dim3A_398 = vector.broadcast %jit3A_397 : f32 to vector<32x8192xf32>
      %select_n3A_399 = arith.select %eq3A_390, %get3A_8, %broadcast_in_dim3A_398 : vector<32x8192xi1>, vector<32x8192xf32>
      %reduce_sum3A_400 = arith.constant dense<0.000000e+00> : vector<32xf32>
      %reduce_sum3A_401 = vector.multi_reduction <add>, %select_n3A_399, %reduce_sum3A_400 [1] : vector<32x8192xf32> to vector<32xf32>
      %broadcast_in_dim3A_402 = vector.shape_cast %reduce_sum3A_401 : vector<32xf32> to vector<32x1xf32>
      %jit3A_403 = arith.constant 0.000000e+00 : f32
      %broadcast_in_dim3A_404 = vector.broadcast %jit3A_403 : f32 to vector<32x8192xf32>
      %select_n3A_405 = arith.select %eq3A_390, %get3A_13, %broadcast_in_dim3A_404 : vector<32x8192xi1>, vector<32x8192xf32>
      %reduce_sum3A_406 = arith.constant dense<0.000000e+00> : vector<32xf32>
      %reduce_sum3A_407 = vector.multi_reduction <add>, %select_n3A_405, %reduce_sum3A_406 [1] : vector<32x8192xf32> to vector<32xf32>
      %broadcast_in_dim3A_408 = vector.shape_cast %reduce_sum3A_407 : vector<32xf32> to vector<32x1xf32>
      %broadcast_in_dim3A_409 = vector.shape_cast %broadcast_in_dim3A_396 : vector<32x1xf32> to vector<32x1xf32>
      %broadcast_in_dim3A_410 = vector.broadcast %broadcast_in_dim3A_409 : vector<32x1xf32> to vector<32x128xf32>
      %select_n3A_411 = arith.select %eq3A_385, %broadcast_in_dim3A_410, %select_n3A_355 : vector<32x128xi1>, vector<32x128xf32>
      %broadcast_in_dim3A_412 = vector.shape_cast %broadcast_in_dim3A_402 : vector<32x1xf32> to vector<32x1xf32>
      %broadcast_in_dim3A_413 = vector.broadcast %broadcast_in_dim3A_412 : vector<32x1xf32> to vector<32x128xf32>
      %select_n3A_414 = arith.select %eq3A_385, %broadcast_in_dim3A_413, %select_n3A_358 : vector<32x128xi1>, vector<32x128xf32>
      %broadcast_in_dim3A_415 = vector.shape_cast %broadcast_in_dim3A_408 : vector<32x1xf32> to vector<32x1xf32>
      %broadcast_in_dim3A_416 = vector.broadcast %broadcast_in_dim3A_415 : vector<32x1xf32> to vector<32x128xf32>
      %select_n3A_417 = arith.select %eq3A_385, %broadcast_in_dim3A_416, %select_n3A_361 : vector<32x128xi1>, vector<32x128xf32>
      %sub3A_418 = vector.broadcast %broadcast_in_dim3A_396 : vector<32x1xf32> to vector<32x8192xf32>
      %sub3A_419 = arith.subf %get3A_3, %sub3A_418 : vector<32x8192xf32>
      %integer_pow3A_420 = arith.mulf %sub3A_419, %sub3A_419 : vector<32x8192xf32>
      %sub3A_421 = vector.broadcast %broadcast_in_dim3A_402 : vector<32x1xf32> to vector<32x8192xf32>
      %sub3A_422 = arith.subf %get3A_8, %sub3A_421 : vector<32x8192xf32>
      %integer_pow3A_423 = arith.mulf %sub3A_422, %sub3A_422 : vector<32x8192xf32>
      %add3A_424 = arith.addf %integer_pow3A_420, %integer_pow3A_423 : vector<32x8192xf32>
      %sub3A_425 = vector.broadcast %broadcast_in_dim3A_408 : vector<32x1xf32> to vector<32x8192xf32>
      %sub3A_426 = arith.subf %get3A_13, %sub3A_425 : vector<32x8192xf32>
      %integer_pow3A_427 = arith.mulf %sub3A_426, %sub3A_426 : vector<32x8192xf32>
      %add3A_428 = arith.addf %add3A_424, %integer_pow3A_427 : vector<32x8192xf32>
      %get3A_429 = arith.constant 0 : index
      %get3A_430 = arith.constant 0 : index
      %get3A_431 = vector.load %arg4[%get3A_429, %get3A_430] : memref<32x8192xf32, #tpu.memory_space<vmem>>, vector<32x8192xf32>
      %min3A_432 = arith.minimumf %get3A_431, %add3A_428 : vector<32x8192xf32>
      %swap3A_433 = arith.constant 0 : index
      %swap3A_434 = arith.constant 0 : index
      %swap3A_435 = vector.load %arg4[%swap3A_433, %swap3A_434] : memref<32x8192xf32, #tpu.memory_space<vmem>>, vector<32x8192xf32>
      tpu.vector_store %arg4[%swap3A_433, %swap3A_434], %min3A_432 {strides = array<i32>} : memref<32x8192xf32, #tpu.memory_space<vmem>>, vector<32x8192xf32>,
      %argmax3A_436 = tpu.reduce_index %min3A_432 {axis = 1 : i32, kind = #tpu.reduction_kind<arg_max>} : vector<32x8192xf32> -> vector<32xi32>
      %broadcast_in_dim3A_437 = vector.shape_cast %argmax3A_436 : vector<32xi32> to vector<32x1xi32>
      %scan3A_438 = arith.constant 7 : i32
      %scan3A_439 = arith.addi %scan3A_51, %scan3A_438 : i32
      %eq3A_440 = vector.broadcast %scan3A_439 : i32 to vector<32x128xi32>
      %eq3A_441 = arith.cmpi eq, %iota3A_14, %eq3A_440 : vector<32x128xi32>
      %broadcast_in_dim3A_442 = vector.shape_cast %broadcast_in_dim3A_437 : vector<32x1xi32> to vector<32x1xi32>
      %broadcast_in_dim3A_443 = vector.broadcast %broadcast_in_dim3A_442 : vector<32x1xi32> to vector<32x128xi32>
      %select_n3A_444 = arith.select %eq3A_441, %broadcast_in_dim3A_443, %select_n3A_388 : vector<32x128xi1>, vector<32x128xi32>
      %eq3A_445 = vector.broadcast %broadcast_in_dim3A_437 : vector<32x1xi32> to vector<32x8192xi32>
      %eq3A_446 = arith.cmpi eq, %iota3A, %eq3A_445 : vector<32x8192xi32>
      %jit3A_447 = arith.constant 0.000000e+00 : f32
      %broadcast_in_dim3A_448 = vector.broadcast %jit3A_447 : f32 to vector<32x8192xf32>
      %select_n3A_449 = arith.select %eq3A_446, %get3A_3, %broadcast_in_dim3A_448 : vector<32x8192xi1>, vector<32x8192xf32>
      %reduce_sum3A_450 = arith.constant dense<0.000000e+00> : vector<32xf32>
      %reduce_sum3A_451 = vector.multi_reduction <add>, %select_n3A_449, %reduce_sum3A_450 [1] : vector<32x8192xf32> to vector<32xf32>
      %broadcast_in_dim3A_452 = vector.shape_cast %reduce_sum3A_451 : vector<32xf32> to vector<32x1xf32>
      %jit3A_453 = arith.constant 0.000000e+00 : f32
      %broadcast_in_dim3A_454 = vector.broadcast %jit3A_453 : f32 to vector<32x8192xf32>
      %select_n3A_455 = arith.select %eq3A_446, %get3A_8, %broadcast_in_dim3A_454 : vector<32x8192xi1>, vector<32x8192xf32>
      %reduce_sum3A_456 = arith.constant dense<0.000000e+00> : vector<32xf32>
      %reduce_sum3A_457 = vector.multi_reduction <add>, %select_n3A_455, %reduce_sum3A_456 [1] : vector<32x8192xf32> to vector<32xf32>
      %broadcast_in_dim3A_458 = vector.shape_cast %reduce_sum3A_457 : vector<32xf32> to vector<32x1xf32>
      %jit3A_459 = arith.constant 0.000000e+00 : f32
      %broadcast_in_dim3A_460 = vector.broadcast %jit3A_459 : f32 to vector<32x8192xf32>
      %select_n3A_461 = arith.select %eq3A_446, %get3A_13, %broadcast_in_dim3A_460 : vector<32x8192xi1>, vector<32x8192xf32>
      %reduce_sum3A_462 = arith.constant dense<0.000000e+00> : vector<32xf32>
      %reduce_sum3A_463 = vector.multi_reduction <add>, %select_n3A_461, %reduce_sum3A_462 [1] : vector<32x8192xf32> to vector<32xf32>
      %broadcast_in_dim3A_464 = vector.shape_cast %reduce_sum3A_463 : vector<32xf32> to vector<32x1xf32>
      %broadcast_in_dim3A_465 = vector.shape_cast %broadcast_in_dim3A_452 : vector<32x1xf32> to vector<32x1xf32>
      %broadcast_in_dim3A_466 = vector.broadcast %broadcast_in_dim3A_465 : vector<32x1xf32> to vector<32x128xf32>
      %select_n3A_467 = arith.select %eq3A_441, %broadcast_in_dim3A_466, %select_n3A_411 : vector<32x128xi1>, vector<32x128xf32>
      %broadcast_in_dim3A_468 = vector.shape_cast %broadcast_in_dim3A_458 : vector<32x1xf32> to vector<32x1xf32>
      %broadcast_in_dim3A_469 = vector.broadcast %broadcast_in_dim3A_468 : vector<32x1xf32> to vector<32x128xf32>
      %select_n3A_470 = arith.select %eq3A_441, %broadcast_in_dim3A_469, %select_n3A_414 : vector<32x128xi1>, vector<32x128xf32>
      %broadcast_in_dim3A_471 = vector.shape_cast %broadcast_in_dim3A_464 : vector<32x1xf32> to vector<32x1xf32>
      %broadcast_in_dim3A_472 = vector.broadcast %broadcast_in_dim3A_471 : vector<32x1xf32> to vector<32x128xf32>
      %select_n3A_473 = arith.select %eq3A_441, %broadcast_in_dim3A_472, %select_n3A_417 : vector<32x128xi1>, vector<32x128xf32>
      %sub3A_474 = vector.broadcast %broadcast_in_dim3A_452 : vector<32x1xf32> to vector<32x8192xf32>
      %sub3A_475 = arith.subf %get3A_3, %sub3A_474 : vector<32x8192xf32>
      %integer_pow3A_476 = arith.mulf %sub3A_475, %sub3A_475 : vector<32x8192xf32>
      %sub3A_477 = vector.broadcast %broadcast_in_dim3A_458 : vector<32x1xf32> to vector<32x8192xf32>
      %sub3A_478 = arith.subf %get3A_8, %sub3A_477 : vector<32x8192xf32>
      %integer_pow3A_479 = arith.mulf %sub3A_478, %sub3A_478 : vector<32x8192xf32>
      %add3A_480 = arith.addf %integer_pow3A_476, %integer_pow3A_479 : vector<32x8192xf32>
      %sub3A_481 = vector.broadcast %broadcast_in_dim3A_464 : vector<32x1xf32> to vector<32x8192xf32>
      %sub3A_482 = arith.subf %get3A_13, %sub3A_481 : vector<32x8192xf32>
      %integer_pow3A_483 = arith.mulf %sub3A_482, %sub3A_482 : vector<32x8192xf32>
      %add3A_484 = arith.addf %add3A_480, %integer_pow3A_483 : vector<32x8192xf32>
      %get3A_485 = arith.constant 0 : index
      %get3A_486 = arith.constant 0 : index
      %get3A_487 = vector.load %arg4[%get3A_485, %get3A_486] : memref<32x8192xf32, #tpu.memory_space<vmem>>, vector<32x8192xf32>
      %min3A_488 = arith.minimumf %get3A_487, %add3A_484 : vector<32x8192xf32>
      %swap3A_489 = arith.constant 0 : index
      %swap3A_490 = arith.constant 0 : index
      %swap3A_491 = vector.load %arg4[%swap3A_489, %swap3A_490] : memref<32x8192xf32, #tpu.memory_space<vmem>>, vector<32x8192xf32>
      tpu.vector_store %arg4[%swap3A_489, %swap3A_490], %min3A_488 {strides = array<i32>} : memref<32x8192xf32, #tpu.memory_space<vmem>>, vector<32x8192xf32>,
      %argmax3A_492 = tpu.reduce_index %min3A_488 {axis = 1 : i32, kind = #tpu.reduction_kind<arg_max>} : vector<32x8192xf32> -> vector<32xi32>
      %broadcast_in_dim3A_493 = vector.shape_cast %argmax3A_492 : vector<32xi32> to vector<32x1xi32>
      scf.yield %broadcast_in_dim3A_493, %select_n3A_444, %select_n3A_467, %select_n3A_470, %select_n3A_473 : vector<32x1xi32>, vector<32x128xi32>, vector<32x128xf32>, vector<32x128xf32>, vector<32x128xf32>
    }
    %scan3A_29 = arith.constant 128 : i32
    %swap3A_30 = arith.constant 0 : index
    %swap3A_31 = arith.constant 0 : index
    %swap3A_32 = vector.load %arg2[%swap3A_30, %swap3A_31] : memref<32x128xi32, #tpu.memory_space<vmem>>, vector<32x128xi32>
    tpu.vector_store %arg2[%swap3A_30, %swap3A_31], %scan3A_28#1 {strides = array<i32>} : memref<32x128xi32, #tpu.memory_space<vmem>>, vector<32x128xi32>,
    %swap3A_33 = arith.constant 0 : index
    %swap3A_34 = arith.constant 0 : index
    %swap3A_35 = arith.constant 0 : index
    %swap3A_36 = vector.load %arg3[%swap3A_33, %swap3A_34, %swap3A_35] : memref<3x32x128xf32, #tpu.memory_space<vmem>>, vector<1x32x128xf32>
    %swap3A_37 = vector.shape_cast %swap3A_36 : vector<1x32x128xf32> to vector<32x128xf32>
    %swap3A_38 = vector.shape_cast %scan3A_28#2 : vector<32x128xf32> to vector<1x32x128xf32>
    tpu.vector_store %arg3[%swap3A_33, %swap3A_34, %swap3A_35], %swap3A_38 {strides = array<i32>} : memref<3x32x128xf32, #tpu.memory_space<vmem>>, vector<1x32x128xf32>,
    %swap3A_39 = arith.constant 1 : index
    %swap3A_40 = arith.constant 0 : index
    %swap3A_41 = arith.constant 0 : index
    %swap3A_42 = vector.load %arg3[%swap3A_39, %swap3A_40, %swap3A_41] : memref<3x32x128xf32, #tpu.memory_space<vmem>>, vector<1x32x128xf32>
    %swap3A_43 = vector.shape_cast %swap3A_42 : vector<1x32x128xf32> to vector<32x128xf32>
    %swap3A_44 = vector.shape_cast %scan3A_28#3 : vector<32x128xf32> to vector<1x32x128xf32>
    tpu.vector_store %arg3[%swap3A_39, %swap3A_40, %swap3A_41], %swap3A_44 {strides = array<i32>} : memref<3x32x128xf32, #tpu.memory_space<vmem>>, vector<1x32x128xf32>,
    %swap3A_45 = arith.constant 2 : index
    %swap3A_46 = arith.constant 0 : index
    %swap3A_47 = arith.constant 0 : index
    %swap3A_48 = vector.load %arg3[%swap3A_45, %swap3A_46, %swap3A_47] : memref<3x32x128xf32, #tpu.memory_space<vmem>>, vector<1x32x128xf32>
    %swap3A_49 = vector.shape_cast %swap3A_48 : vector<1x32x128xf32> to vector<32x128xf32>
    %swap3A_50 = vector.shape_cast %scan3A_28#4 : vector<32x128xf32> to vector<1x32x128xf32>
    tpu.vector_store %arg3[%swap3A_45, %swap3A_46, %swap3A_47], %swap3A_50 {strides = array<i32>} : memref<3x32x128xf32, #tpu.memory_space<vmem>>, vector<1x32x128xf32>,
    return
  }
}

module attributes {stable_mosaic.version = 14 : i64} {
  func.func @_knn_body(%arg0: i32, %arg1: memref<1x3x8192xf32, #tpu.memory_space<vmem>>, %arg2: memref<1x128x3xf32, #tpu.memory_space<vmem>>, %arg3: memref<1x128x32xi32, #tpu.memory_space<vmem>>, %arg4: memref<128x8192xf32, #tpu.memory_space<vmem>>) attributes {dimension_semantics = [#tpu.dimension_semantics<arbitrary>], iteration_bounds = array<i64: 32>, scalar_prefetch = 0 : i64, scratch_operands = 1 : i64, tpu.core_type = #tpu.core_type<tc>, window_params = [{transform_indices = @transform_0, window_bounds = array<i64: 1, 3, 8192>}, {transform_indices = @transform_1, window_bounds = array<i64: 1, 128, 3>}, {transform_indices = @transform_2, window_bounds = array<i64: 1, 128, 32>}]} {
    %get3A = arith.constant 0 : index
    %get3A_0 = arith.constant 0 : index
    %get3A_1 = arith.constant 0 : index
    %get3A_2 = vector.load %arg1[%get3A, %get3A_0, %get3A_1] : memref<1x3x8192xf32, #tpu.memory_space<vmem>>, vector<1x1x8192xf32>
    %get3A_3 = vector.shape_cast %get3A_2 : vector<1x1x8192xf32> to vector<1x8192xf32>
    %get3A_4 = arith.constant 0 : index
    %get3A_5 = arith.constant 1 : index
    %get3A_6 = arith.constant 0 : index
    %get3A_7 = vector.load %arg1[%get3A_4, %get3A_5, %get3A_6] : memref<1x3x8192xf32, #tpu.memory_space<vmem>>, vector<1x1x8192xf32>
    %get3A_8 = vector.shape_cast %get3A_7 : vector<1x1x8192xf32> to vector<1x8192xf32>
    %get3A_9 = arith.constant 0 : index
    %get3A_10 = arith.constant 2 : index
    %get3A_11 = arith.constant 0 : index
    %get3A_12 = vector.load %arg1[%get3A_9, %get3A_10, %get3A_11] : memref<1x3x8192xf32, #tpu.memory_space<vmem>>, vector<1x1x8192xf32>
    %get3A_13 = vector.shape_cast %get3A_12 : vector<1x1x8192xf32> to vector<1x8192xf32>
    %get3A_14 = arith.constant 0 : index
    %get3A_15 = arith.constant 0 : index
    %get3A_16 = arith.constant 0 : index
    %get3A_17 = vector.load %arg2[%get3A_14, %get3A_15, %get3A_16] : memref<1x128x3xf32, #tpu.memory_space<vmem>>, vector<1x128x3xf32>
    %get3A_18 = vector.shape_cast %get3A_17 : vector<1x128x3xf32> to vector<128x3xf32>
    %slice3A = vector.extract_strided_slice %get3A_18 {offsets = [0, 0], sizes = [128, 1], strides = [1, 1]} : vector<128x3xf32> to vector<128x1xf32>
    %slice3A_19 = vector.extract_strided_slice %get3A_18 {offsets = [0, 1], sizes = [128, 1], strides = [1, 1]} : vector<128x3xf32> to vector<128x1xf32>
    %slice3A_20 = vector.extract_strided_slice %get3A_18 {offsets = [0, 2], sizes = [128, 1], strides = [1, 1]} : vector<128x3xf32> to vector<128x1xf32>
    %iota3A = tpu.iota {dimensions = array<i32: 1>} : vector<128x8192xi32>
    %sub3A = vector.broadcast %slice3A : vector<128x1xf32> to vector<128x8192xf32>
    %sub3A_21 = vector.broadcast %get3A_3 : vector<1x8192xf32> to vector<128x8192xf32>
    %sub3A_22 = arith.subf %sub3A, %sub3A_21 : vector<128x8192xf32>
    %integer_pow3A = arith.mulf %sub3A_22, %sub3A_22 : vector<128x8192xf32>
    %sub3A_23 = vector.broadcast %slice3A_19 : vector<128x1xf32> to vector<128x8192xf32>
    %sub3A_24 = vector.broadcast %get3A_8 : vector<1x8192xf32> to vector<128x8192xf32>
    %sub3A_25 = arith.subf %sub3A_23, %sub3A_24 : vector<128x8192xf32>
    %integer_pow3A_26 = arith.mulf %sub3A_25, %sub3A_25 : vector<128x8192xf32>
    %add3A = arith.addf %integer_pow3A, %integer_pow3A_26 : vector<128x8192xf32>
    %sub3A_27 = vector.broadcast %slice3A_20 : vector<128x1xf32> to vector<128x8192xf32>
    %sub3A_28 = vector.broadcast %get3A_13 : vector<1x8192xf32> to vector<128x8192xf32>
    %sub3A_29 = arith.subf %sub3A_27, %sub3A_28 : vector<128x8192xf32>
    %integer_pow3A_30 = arith.mulf %sub3A_29, %sub3A_29 : vector<128x8192xf32>
    %add3A_31 = arith.addf %add3A, %integer_pow3A_30 : vector<128x8192xf32>
    %swap3A = arith.constant 0 : index
    %swap3A_32 = arith.constant 0 : index
    %swap3A_33 = vector.load %arg4[%swap3A, %swap3A_32] : memref<128x8192xf32, #tpu.memory_space<vmem>>, vector<128x8192xf32>
    tpu.vector_store %arg4[%swap3A, %swap3A_32], %add3A_31 {strides = array<i32>} : memref<128x8192xf32, #tpu.memory_space<vmem>>, vector<128x8192xf32>,
    %iota3A_34 = tpu.iota {dimensions = array<i32: 1>} : vector<128x32xi32>
    %broadcast_in_dim3A = arith.constant 0 : i32
    %broadcast_in_dim3A_35 = vector.broadcast %broadcast_in_dim3A : i32 to vector<128x32xi32>
    %scan3A = arith.constant 0 : i32
    %scan3A_36 = arith.constant 32 : i32
    %scan3A_37 = arith.addi %scan3A, %scan3A_36 : i32
    %scan3A_38 = arith.constant 8 : i32
    %scan3A_39 = scf.for %scan3A_47 = %scan3A to %scan3A_37 step %scan3A_38 iter_args(%scan3A_48 = %broadcast_in_dim3A_35) -> (vector<128x32xi32>)  : i32 {
      %get3A_49 = arith.constant 0 : index
      %get3A_50 = arith.constant 0 : index
      %get3A_51 = vector.load %arg4[%get3A_49, %get3A_50] : memref<128x8192xf32, #tpu.memory_space<vmem>>, vector<128x8192xf32>
      %argmin3A = tpu.reduce_index %get3A_51 {axis = 1 : i32, kind = #tpu.reduction_kind<arg_min>} : vector<128x8192xf32> -> vector<128xi32>
      %broadcast_in_dim3A_52 = vector.shape_cast %argmin3A : vector<128xi32> to vector<128x1xi32>
      %eq3A = vector.broadcast %broadcast_in_dim3A_52 : vector<128x1xi32> to vector<128x8192xi32>
      %eq3A_53 = arith.cmpi eq, %iota3A, %eq3A : vector<128x8192xi32>
      %eq3A_54 = vector.broadcast %scan3A_47 : i32 to vector<128x32xi32>
      %eq3A_55 = arith.cmpi eq, %iota3A_34, %eq3A_54 : vector<128x32xi32>
      %broadcast_in_dim3A_56 = vector.shape_cast %broadcast_in_dim3A_52 : vector<128x1xi32> to vector<128x1xi32>
      %broadcast_in_dim3A_57 = vector.broadcast %broadcast_in_dim3A_56 : vector<128x1xi32> to vector<128x32xi32>
      %select_n3A = arith.select %eq3A_55, %broadcast_in_dim3A_57, %scan3A_48 : vector<128x32xi1>, vector<128x32xi32>
      %jit3A = arith.constant 0x7F800000 : f32
      %broadcast_in_dim3A_58 = vector.broadcast %jit3A : f32 to vector<128x8192xf32>
      %select_n3A_59 = arith.select %eq3A_53, %broadcast_in_dim3A_58, %get3A_51 : vector<128x8192xi1>, vector<128x8192xf32>
      %swap3A_60 = arith.constant 0 : index
      %swap3A_61 = arith.constant 0 : index
      %swap3A_62 = vector.load %arg4[%swap3A_60, %swap3A_61] : memref<128x8192xf32, #tpu.memory_space<vmem>>, vector<128x8192xf32>
      tpu.vector_store %arg4[%swap3A_60, %swap3A_61], %select_n3A_59 {strides = array<i32>} : memref<128x8192xf32, #tpu.memory_space<vmem>>, vector<128x8192xf32>,
      %scan3A_63 = arith.constant 1 : i32
      %scan3A_64 = arith.addi %scan3A_47, %scan3A_63 : i32
      %get3A_65 = arith.constant 0 : index
      %get3A_66 = arith.constant 0 : index
      %get3A_67 = vector.load %arg4[%get3A_65, %get3A_66] : memref<128x8192xf32, #tpu.memory_space<vmem>>, vector<128x8192xf32>
      %argmin3A_68 = tpu.reduce_index %get3A_67 {axis = 1 : i32, kind = #tpu.reduction_kind<arg_min>} : vector<128x8192xf32> -> vector<128xi32>
      %broadcast_in_dim3A_69 = vector.shape_cast %argmin3A_68 : vector<128xi32> to vector<128x1xi32>
      %eq3A_70 = vector.broadcast %broadcast_in_dim3A_69 : vector<128x1xi32> to vector<128x8192xi32>
      %eq3A_71 = arith.cmpi eq, %iota3A, %eq3A_70 : vector<128x8192xi32>
      %eq3A_72 = vector.broadcast %scan3A_64 : i32 to vector<128x32xi32>
      %eq3A_73 = arith.cmpi eq, %iota3A_34, %eq3A_72 : vector<128x32xi32>
      %broadcast_in_dim3A_74 = vector.shape_cast %broadcast_in_dim3A_69 : vector<128x1xi32> to vector<128x1xi32>
      %broadcast_in_dim3A_75 = vector.broadcast %broadcast_in_dim3A_74 : vector<128x1xi32> to vector<128x32xi32>
      %select_n3A_76 = arith.select %eq3A_73, %broadcast_in_dim3A_75, %select_n3A : vector<128x32xi1>, vector<128x32xi32>
      %jit3A_77 = arith.constant 0x7F800000 : f32
      %broadcast_in_dim3A_78 = vector.broadcast %jit3A_77 : f32 to vector<128x8192xf32>
      %select_n3A_79 = arith.select %eq3A_71, %broadcast_in_dim3A_78, %get3A_67 : vector<128x8192xi1>, vector<128x8192xf32>
      %swap3A_80 = arith.constant 0 : index
      %swap3A_81 = arith.constant 0 : index
      %swap3A_82 = vector.load %arg4[%swap3A_80, %swap3A_81] : memref<128x8192xf32, #tpu.memory_space<vmem>>, vector<128x8192xf32>
      tpu.vector_store %arg4[%swap3A_80, %swap3A_81], %select_n3A_79 {strides = array<i32>} : memref<128x8192xf32, #tpu.memory_space<vmem>>, vector<128x8192xf32>,
      %scan3A_83 = arith.constant 2 : i32
      %scan3A_84 = arith.addi %scan3A_47, %scan3A_83 : i32
      %get3A_85 = arith.constant 0 : index
      %get3A_86 = arith.constant 0 : index
      %get3A_87 = vector.load %arg4[%get3A_85, %get3A_86] : memref<128x8192xf32, #tpu.memory_space<vmem>>, vector<128x8192xf32>
      %argmin3A_88 = tpu.reduce_index %get3A_87 {axis = 1 : i32, kind = #tpu.reduction_kind<arg_min>} : vector<128x8192xf32> -> vector<128xi32>
      %broadcast_in_dim3A_89 = vector.shape_cast %argmin3A_88 : vector<128xi32> to vector<128x1xi32>
      %eq3A_90 = vector.broadcast %broadcast_in_dim3A_89 : vector<128x1xi32> to vector<128x8192xi32>
      %eq3A_91 = arith.cmpi eq, %iota3A, %eq3A_90 : vector<128x8192xi32>
      %eq3A_92 = vector.broadcast %scan3A_84 : i32 to vector<128x32xi32>
      %eq3A_93 = arith.cmpi eq, %iota3A_34, %eq3A_92 : vector<128x32xi32>
      %broadcast_in_dim3A_94 = vector.shape_cast %broadcast_in_dim3A_89 : vector<128x1xi32> to vector<128x1xi32>
      %broadcast_in_dim3A_95 = vector.broadcast %broadcast_in_dim3A_94 : vector<128x1xi32> to vector<128x32xi32>
      %select_n3A_96 = arith.select %eq3A_93, %broadcast_in_dim3A_95, %select_n3A_76 : vector<128x32xi1>, vector<128x32xi32>
      %jit3A_97 = arith.constant 0x7F800000 : f32
      %broadcast_in_dim3A_98 = vector.broadcast %jit3A_97 : f32 to vector<128x8192xf32>
      %select_n3A_99 = arith.select %eq3A_91, %broadcast_in_dim3A_98, %get3A_87 : vector<128x8192xi1>, vector<128x8192xf32>
      %swap3A_100 = arith.constant 0 : index
      %swap3A_101 = arith.constant 0 : index
      %swap3A_102 = vector.load %arg4[%swap3A_100, %swap3A_101] : memref<128x8192xf32, #tpu.memory_space<vmem>>, vector<128x8192xf32>
      tpu.vector_store %arg4[%swap3A_100, %swap3A_101], %select_n3A_99 {strides = array<i32>} : memref<128x8192xf32, #tpu.memory_space<vmem>>, vector<128x8192xf32>,
      %scan3A_103 = arith.constant 3 : i32
      %scan3A_104 = arith.addi %scan3A_47, %scan3A_103 : i32
      %get3A_105 = arith.constant 0 : index
      %get3A_106 = arith.constant 0 : index
      %get3A_107 = vector.load %arg4[%get3A_105, %get3A_106] : memref<128x8192xf32, #tpu.memory_space<vmem>>, vector<128x8192xf32>
      %argmin3A_108 = tpu.reduce_index %get3A_107 {axis = 1 : i32, kind = #tpu.reduction_kind<arg_min>} : vector<128x8192xf32> -> vector<128xi32>
      %broadcast_in_dim3A_109 = vector.shape_cast %argmin3A_108 : vector<128xi32> to vector<128x1xi32>
      %eq3A_110 = vector.broadcast %broadcast_in_dim3A_109 : vector<128x1xi32> to vector<128x8192xi32>
      %eq3A_111 = arith.cmpi eq, %iota3A, %eq3A_110 : vector<128x8192xi32>
      %eq3A_112 = vector.broadcast %scan3A_104 : i32 to vector<128x32xi32>
      %eq3A_113 = arith.cmpi eq, %iota3A_34, %eq3A_112 : vector<128x32xi32>
      %broadcast_in_dim3A_114 = vector.shape_cast %broadcast_in_dim3A_109 : vector<128x1xi32> to vector<128x1xi32>
      %broadcast_in_dim3A_115 = vector.broadcast %broadcast_in_dim3A_114 : vector<128x1xi32> to vector<128x32xi32>
      %select_n3A_116 = arith.select %eq3A_113, %broadcast_in_dim3A_115, %select_n3A_96 : vector<128x32xi1>, vector<128x32xi32>
      %jit3A_117 = arith.constant 0x7F800000 : f32
      %broadcast_in_dim3A_118 = vector.broadcast %jit3A_117 : f32 to vector<128x8192xf32>
      %select_n3A_119 = arith.select %eq3A_111, %broadcast_in_dim3A_118, %get3A_107 : vector<128x8192xi1>, vector<128x8192xf32>
      %swap3A_120 = arith.constant 0 : index
      %swap3A_121 = arith.constant 0 : index
      %swap3A_122 = vector.load %arg4[%swap3A_120, %swap3A_121] : memref<128x8192xf32, #tpu.memory_space<vmem>>, vector<128x8192xf32>
      tpu.vector_store %arg4[%swap3A_120, %swap3A_121], %select_n3A_119 {strides = array<i32>} : memref<128x8192xf32, #tpu.memory_space<vmem>>, vector<128x8192xf32>,
      %scan3A_123 = arith.constant 4 : i32
      %scan3A_124 = arith.addi %scan3A_47, %scan3A_123 : i32
      %get3A_125 = arith.constant 0 : index
      %get3A_126 = arith.constant 0 : index
      %get3A_127 = vector.load %arg4[%get3A_125, %get3A_126] : memref<128x8192xf32, #tpu.memory_space<vmem>>, vector<128x8192xf32>
      %argmin3A_128 = tpu.reduce_index %get3A_127 {axis = 1 : i32, kind = #tpu.reduction_kind<arg_min>} : vector<128x8192xf32> -> vector<128xi32>
      %broadcast_in_dim3A_129 = vector.shape_cast %argmin3A_128 : vector<128xi32> to vector<128x1xi32>
      %eq3A_130 = vector.broadcast %broadcast_in_dim3A_129 : vector<128x1xi32> to vector<128x8192xi32>
      %eq3A_131 = arith.cmpi eq, %iota3A, %eq3A_130 : vector<128x8192xi32>
      %eq3A_132 = vector.broadcast %scan3A_124 : i32 to vector<128x32xi32>
      %eq3A_133 = arith.cmpi eq, %iota3A_34, %eq3A_132 : vector<128x32xi32>
      %broadcast_in_dim3A_134 = vector.shape_cast %broadcast_in_dim3A_129 : vector<128x1xi32> to vector<128x1xi32>
      %broadcast_in_dim3A_135 = vector.broadcast %broadcast_in_dim3A_134 : vector<128x1xi32> to vector<128x32xi32>
      %select_n3A_136 = arith.select %eq3A_133, %broadcast_in_dim3A_135, %select_n3A_116 : vector<128x32xi1>, vector<128x32xi32>
      %jit3A_137 = arith.constant 0x7F800000 : f32
      %broadcast_in_dim3A_138 = vector.broadcast %jit3A_137 : f32 to vector<128x8192xf32>
      %select_n3A_139 = arith.select %eq3A_131, %broadcast_in_dim3A_138, %get3A_127 : vector<128x8192xi1>, vector<128x8192xf32>
      %swap3A_140 = arith.constant 0 : index
      %swap3A_141 = arith.constant 0 : index
      %swap3A_142 = vector.load %arg4[%swap3A_140, %swap3A_141] : memref<128x8192xf32, #tpu.memory_space<vmem>>, vector<128x8192xf32>
      tpu.vector_store %arg4[%swap3A_140, %swap3A_141], %select_n3A_139 {strides = array<i32>} : memref<128x8192xf32, #tpu.memory_space<vmem>>, vector<128x8192xf32>,
      %scan3A_143 = arith.constant 5 : i32
      %scan3A_144 = arith.addi %scan3A_47, %scan3A_143 : i32
      %get3A_145 = arith.constant 0 : index
      %get3A_146 = arith.constant 0 : index
      %get3A_147 = vector.load %arg4[%get3A_145, %get3A_146] : memref<128x8192xf32, #tpu.memory_space<vmem>>, vector<128x8192xf32>
      %argmin3A_148 = tpu.reduce_index %get3A_147 {axis = 1 : i32, kind = #tpu.reduction_kind<arg_min>} : vector<128x8192xf32> -> vector<128xi32>
      %broadcast_in_dim3A_149 = vector.shape_cast %argmin3A_148 : vector<128xi32> to vector<128x1xi32>
      %eq3A_150 = vector.broadcast %broadcast_in_dim3A_149 : vector<128x1xi32> to vector<128x8192xi32>
      %eq3A_151 = arith.cmpi eq, %iota3A, %eq3A_150 : vector<128x8192xi32>
      %eq3A_152 = vector.broadcast %scan3A_144 : i32 to vector<128x32xi32>
      %eq3A_153 = arith.cmpi eq, %iota3A_34, %eq3A_152 : vector<128x32xi32>
      %broadcast_in_dim3A_154 = vector.shape_cast %broadcast_in_dim3A_149 : vector<128x1xi32> to vector<128x1xi32>
      %broadcast_in_dim3A_155 = vector.broadcast %broadcast_in_dim3A_154 : vector<128x1xi32> to vector<128x32xi32>
      %select_n3A_156 = arith.select %eq3A_153, %broadcast_in_dim3A_155, %select_n3A_136 : vector<128x32xi1>, vector<128x32xi32>
      %jit3A_157 = arith.constant 0x7F800000 : f32
      %broadcast_in_dim3A_158 = vector.broadcast %jit3A_157 : f32 to vector<128x8192xf32>
      %select_n3A_159 = arith.select %eq3A_151, %broadcast_in_dim3A_158, %get3A_147 : vector<128x8192xi1>, vector<128x8192xf32>
      %swap3A_160 = arith.constant 0 : index
      %swap3A_161 = arith.constant 0 : index
      %swap3A_162 = vector.load %arg4[%swap3A_160, %swap3A_161] : memref<128x8192xf32, #tpu.memory_space<vmem>>, vector<128x8192xf32>
      tpu.vector_store %arg4[%swap3A_160, %swap3A_161], %select_n3A_159 {strides = array<i32>} : memref<128x8192xf32, #tpu.memory_space<vmem>>, vector<128x8192xf32>,
      %scan3A_163 = arith.constant 6 : i32
      %scan3A_164 = arith.addi %scan3A_47, %scan3A_163 : i32
      %get3A_165 = arith.constant 0 : index
      %get3A_166 = arith.constant 0 : index
      %get3A_167 = vector.load %arg4[%get3A_165, %get3A_166] : memref<128x8192xf32, #tpu.memory_space<vmem>>, vector<128x8192xf32>
      %argmin3A_168 = tpu.reduce_index %get3A_167 {axis = 1 : i32, kind = #tpu.reduction_kind<arg_min>} : vector<128x8192xf32> -> vector<128xi32>
      %broadcast_in_dim3A_169 = vector.shape_cast %argmin3A_168 : vector<128xi32> to vector<128x1xi32>
      %eq3A_170 = vector.broadcast %broadcast_in_dim3A_169 : vector<128x1xi32> to vector<128x8192xi32>
      %eq3A_171 = arith.cmpi eq, %iota3A, %eq3A_170 : vector<128x8192xi32>
      %eq3A_172 = vector.broadcast %scan3A_164 : i32 to vector<128x32xi32>
      %eq3A_173 = arith.cmpi eq, %iota3A_34, %eq3A_172 : vector<128x32xi32>
      %broadcast_in_dim3A_174 = vector.shape_cast %broadcast_in_dim3A_169 : vector<128x1xi32> to vector<128x1xi32>
      %broadcast_in_dim3A_175 = vector.broadcast %broadcast_in_dim3A_174 : vector<128x1xi32> to vector<128x32xi32>
      %select_n3A_176 = arith.select %eq3A_173, %broadcast_in_dim3A_175, %select_n3A_156 : vector<128x32xi1>, vector<128x32xi32>
      %jit3A_177 = arith.constant 0x7F800000 : f32
      %broadcast_in_dim3A_178 = vector.broadcast %jit3A_177 : f32 to vector<128x8192xf32>
      %select_n3A_179 = arith.select %eq3A_171, %broadcast_in_dim3A_178, %get3A_167 : vector<128x8192xi1>, vector<128x8192xf32>
      %swap3A_180 = arith.constant 0 : index
      %swap3A_181 = arith.constant 0 : index
      %swap3A_182 = vector.load %arg4[%swap3A_180, %swap3A_181] : memref<128x8192xf32, #tpu.memory_space<vmem>>, vector<128x8192xf32>
      tpu.vector_store %arg4[%swap3A_180, %swap3A_181], %select_n3A_179 {strides = array<i32>} : memref<128x8192xf32, #tpu.memory_space<vmem>>, vector<128x8192xf32>,
      %scan3A_183 = arith.constant 7 : i32
      %scan3A_184 = arith.addi %scan3A_47, %scan3A_183 : i32
      %get3A_185 = arith.constant 0 : index
      %get3A_186 = arith.constant 0 : index
      %get3A_187 = vector.load %arg4[%get3A_185, %get3A_186] : memref<128x8192xf32, #tpu.memory_space<vmem>>, vector<128x8192xf32>
      %argmin3A_188 = tpu.reduce_index %get3A_187 {axis = 1 : i32, kind = #tpu.reduction_kind<arg_min>} : vector<128x8192xf32> -> vector<128xi32>
      %broadcast_in_dim3A_189 = vector.shape_cast %argmin3A_188 : vector<128xi32> to vector<128x1xi32>
      %eq3A_190 = vector.broadcast %broadcast_in_dim3A_189 : vector<128x1xi32> to vector<128x8192xi32>
      %eq3A_191 = arith.cmpi eq, %iota3A, %eq3A_190 : vector<128x8192xi32>
      %eq3A_192 = vector.broadcast %scan3A_184 : i32 to vector<128x32xi32>
      %eq3A_193 = arith.cmpi eq, %iota3A_34, %eq3A_192 : vector<128x32xi32>
      %broadcast_in_dim3A_194 = vector.shape_cast %broadcast_in_dim3A_189 : vector<128x1xi32> to vector<128x1xi32>
      %broadcast_in_dim3A_195 = vector.broadcast %broadcast_in_dim3A_194 : vector<128x1xi32> to vector<128x32xi32>
      %select_n3A_196 = arith.select %eq3A_193, %broadcast_in_dim3A_195, %select_n3A_176 : vector<128x32xi1>, vector<128x32xi32>
      %jit3A_197 = arith.constant 0x7F800000 : f32
      %broadcast_in_dim3A_198 = vector.broadcast %jit3A_197 : f32 to vector<128x8192xf32>
      %select_n3A_199 = arith.select %eq3A_191, %broadcast_in_dim3A_198, %get3A_187 : vector<128x8192xi1>, vector<128x8192xf32>
      %swap3A_200 = arith.constant 0 : index
      %swap3A_201 = arith.constant 0 : index
      %swap3A_202 = vector.load %arg4[%swap3A_200, %swap3A_201] : memref<128x8192xf32, #tpu.memory_space<vmem>>, vector<128x8192xf32>
      tpu.vector_store %arg4[%swap3A_200, %swap3A_201], %select_n3A_199 {strides = array<i32>} : memref<128x8192xf32, #tpu.memory_space<vmem>>, vector<128x8192xf32>,
      scf.yield %select_n3A_196 : vector<128x32xi32>
    }
    %scan3A_40 = arith.constant 32 : i32
    %swap3A_41 = arith.constant 0 : index
    %swap3A_42 = arith.constant 0 : index
    %swap3A_43 = arith.constant 0 : index
    %swap3A_44 = vector.load %arg3[%swap3A_41, %swap3A_42, %swap3A_43] : memref<1x128x32xi32, #tpu.memory_space<vmem>>, vector<1x128x32xi32>
    %swap3A_45 = vector.shape_cast %swap3A_44 : vector<1x128x32xi32> to vector<128x32xi32>
    %swap3A_46 = vector.shape_cast %scan3A_39 : vector<128x32xi32> to vector<1x128x32xi32>
    tpu.vector_store %arg3[%swap3A_41, %swap3A_42, %swap3A_43], %swap3A_46 {strides = array<i32>} : memref<1x128x32xi32, #tpu.memory_space<vmem>>, vector<1x128x32xi32>,
    return
  }
  func.func @transform_0(%arg0: i32) -> (i32, i32, i32) {
    %c0_i32 = arith.constant 0 : i32
    %c0_i32_0 = arith.constant 0 : i32
    %c0_i32_1 = arith.constant 0 : i32
    return %arg0, %c0_i32, %c0_i32_0 : i32, i32, i32
  }
  func.func @transform_1(%arg0: i32) -> (i32, i32, i32) {
    %c0_i32 = arith.constant 0 : i32
    %c0_i32_0 = arith.constant 0 : i32
    %c0_i32_1 = arith.constant 0 : i32
    return %arg0, %c0_i32, %c0_i32_0 : i32, i32, i32
  }
  func.func @transform_2(%arg0: i32) -> (i32, i32, i32) {
    %c0_i32 = arith.constant 0 : i32
    %c0_i32_0 = arith.constant 0 : i32
    %c0_i32_1 = arith.constant 0 : i32
    return %arg0, %c0_i32, %c0_i32_0 : i32, i32, i32
  }
}

module attributes {stable_mosaic.version = 14 : i64} {
  func.func @_mlp_body(%arg0: i32, %arg1: memref<2048x16xf32, #tpu.memory_space<vmem>>, %arg2: memref<2048x3xf32, #tpu.memory_space<vmem>>, %arg3: memref<3x512xf32, #tpu.memory_space<vmem>>, %arg4: memref<1x512xf32, #tpu.memory_space<vmem>>, %arg5: memref<512x512xf32, #tpu.memory_space<vmem>>, %arg6: memref<1x512xf32, #tpu.memory_space<vmem>>, %arg7: memref<512x512xf32, #tpu.memory_space<vmem>>, %arg8: memref<1x512xf32, #tpu.memory_space<vmem>>, %arg9: memref<512x768xf32, #tpu.memory_space<vmem>>, %arg10: memref<1x768xf32, #tpu.memory_space<vmem>>, %arg11: memref<64x768xf32, #tpu.memory_space<vmem>>) attributes {dimension_semantics = [#tpu.dimension_semantics<arbitrary>], iteration_bounds = array<i64: 64>, scalar_prefetch = 0 : i64, scratch_operands = 0 : i64, tpu.core_type = #tpu.core_type<tc>, window_params = [{transform_indices = @transform_0, window_bounds = array<i64: 2048, 16>}, {transform_indices = @transform_1, window_bounds = array<i64: 2048, 3>}, {pipeline_mode = #tpu.pipeline_mode<synchronous>, transform_indices = @transform_2, window_bounds = array<i64: 3, 512>}, {pipeline_mode = #tpu.pipeline_mode<synchronous>, transform_indices = @transform_3, window_bounds = array<i64: 1, 512>}, {pipeline_mode = #tpu.pipeline_mode<synchronous>, transform_indices = @transform_4, window_bounds = array<i64: 512, 512>}, {pipeline_mode = #tpu.pipeline_mode<synchronous>, transform_indices = @transform_5, window_bounds = array<i64: 1, 512>}, {pipeline_mode = #tpu.pipeline_mode<synchronous>, transform_indices = @transform_6, window_bounds = array<i64: 512, 512>}, {pipeline_mode = #tpu.pipeline_mode<synchronous>, transform_indices = @transform_7, window_bounds = array<i64: 1, 512>}, {pipeline_mode = #tpu.pipeline_mode<synchronous>, transform_indices = @transform_8, window_bounds = array<i64: 512, 768>}, {pipeline_mode = #tpu.pipeline_mode<synchronous>, transform_indices = @transform_9, window_bounds = array<i64: 1, 768>}, {transform_indices = @transform_10, window_bounds = array<i64: 64, 768>}]} {
    %get3A = arith.constant 0 : index
    %get3A_0 = arith.constant 0 : index
    %get3A_1 = vector.load %arg1[%get3A, %get3A_0] : memref<2048x16xf32, #tpu.memory_space<vmem>>, vector<2048x16xf32>
    %get3A_2 = arith.constant 0 : index
    %get3A_3 = arith.constant 0 : index
    %get3A_4 = vector.load %arg2[%get3A_2, %get3A_3] : memref<2048x3xf32, #tpu.memory_space<vmem>>, vector<2048x3xf32>
    %slice3A = vector.extract_strided_slice %get3A_1 {offsets = [0, 0], sizes = [2048, 1], strides = [1, 1]} : vector<2048x16xf32> to vector<2048x1xf32>
    %slice3A_5 = vector.extract_strided_slice %get3A_4 {offsets = [0, 0], sizes = [2048, 1], strides = [1, 1]} : vector<2048x3xf32> to vector<2048x1xf32>
    %sub3A = arith.subf %slice3A, %slice3A_5 : vector<2048x1xf32>
    %get3A_6 = arith.constant 0 : index
    %get3A_7 = arith.constant 0 : index
    %get3A_8 = vector.load %arg3[%get3A_6, %get3A_7] : memref<3x512xf32, #tpu.memory_space<vmem>>, vector<1x512xf32>
    %mul3A = vector.broadcast %sub3A : vector<2048x1xf32> to vector<2048x512xf32>
    %mul3A_9 = vector.broadcast %get3A_8 : vector<1x512xf32> to vector<2048x512xf32>
    %mul3A_10 = arith.mulf %mul3A, %mul3A_9 : vector<2048x512xf32>
    %slice3A_11 = vector.extract_strided_slice %get3A_1 {offsets = [0, 1], sizes = [2048, 1], strides = [1, 1]} : vector<2048x16xf32> to vector<2048x1xf32>
    %slice3A_12 = vector.extract_strided_slice %get3A_4 {offsets = [0, 1], sizes = [2048, 1], strides = [1, 1]} : vector<2048x3xf32> to vector<2048x1xf32>
    %sub3A_13 = arith.subf %slice3A_11, %slice3A_12 : vector<2048x1xf32>
    %get3A_14 = arith.constant 1 : index
    %get3A_15 = arith.constant 0 : index
    %get3A_16 = vector.load %arg3[%get3A_14, %get3A_15] : memref<3x512xf32, #tpu.memory_space<vmem>>, vector<1x512xf32>
    %mul3A_17 = vector.broadcast %sub3A_13 : vector<2048x1xf32> to vector<2048x512xf32>
    %mul3A_18 = vector.broadcast %get3A_16 : vector<1x512xf32> to vector<2048x512xf32>
    %mul3A_19 = arith.mulf %mul3A_17, %mul3A_18 : vector<2048x512xf32>
    %add3A = arith.addf %mul3A_10, %mul3A_19 : vector<2048x512xf32>
    %slice3A_20 = vector.extract_strided_slice %get3A_1 {offsets = [0, 2], sizes = [2048, 1], strides = [1, 1]} : vector<2048x16xf32> to vector<2048x1xf32>
    %slice3A_21 = vector.extract_strided_slice %get3A_4 {offsets = [0, 2], sizes = [2048, 1], strides = [1, 1]} : vector<2048x3xf32> to vector<2048x1xf32>
    %sub3A_22 = arith.subf %slice3A_20, %slice3A_21 : vector<2048x1xf32>
    %get3A_23 = arith.constant 2 : index
    %get3A_24 = arith.constant 0 : index
    %get3A_25 = vector.load %arg3[%get3A_23, %get3A_24] : memref<3x512xf32, #tpu.memory_space<vmem>>, vector<1x512xf32>
    %mul3A_26 = vector.broadcast %sub3A_22 : vector<2048x1xf32> to vector<2048x512xf32>
    %mul3A_27 = vector.broadcast %get3A_25 : vector<1x512xf32> to vector<2048x512xf32>
    %mul3A_28 = arith.mulf %mul3A_26, %mul3A_27 : vector<2048x512xf32>
    %add3A_29 = arith.addf %add3A, %mul3A_28 : vector<2048x512xf32>
    %get3A_30 = arith.constant 0 : index
    %get3A_31 = arith.constant 0 : index
    %get3A_32 = vector.load %arg4[%get3A_30, %get3A_31] : memref<1x512xf32, #tpu.memory_space<vmem>>, vector<1x512xf32>
    %add3A_33 = vector.broadcast %get3A_32 : vector<1x512xf32> to vector<2048x512xf32>
    %add3A_34 = arith.addf %add3A_29, %add3A_33 : vector<2048x512xf32>
    %mul3A_35 = arith.constant 5.000000e-01 : f32
    %mul3A_36 = vector.broadcast %mul3A_35 : f32 to vector<2048x512xf32>
    %mul3A_37 = arith.mulf %mul3A_36, %add3A_34 : vector<2048x512xf32>
    %mul3A_38 = arith.constant 0.707106769 : f32
    %mul3A_39 = vector.broadcast %mul3A_38 : f32 to vector<2048x512xf32>
    %mul3A_40 = arith.mulf %add3A_34, %mul3A_39 : vector<2048x512xf32>
    %erf3A = math.erf %mul3A_40 : vector<2048x512xf32>
    %add3A_41 = arith.constant 1.000000e+00 : f32
    %add3A_42 = vector.broadcast %add3A_41 : f32 to vector<2048x512xf32>
    %add3A_43 = arith.addf %add3A_42, %erf3A : vector<2048x512xf32>
    %mul3A_44 = arith.mulf %mul3A_37, %add3A_43 : vector<2048x512xf32>
    %get3A_45 = arith.constant 0 : index
    %get3A_46 = arith.constant 0 : index
    %get3A_47 = vector.load %arg5[%get3A_45, %get3A_46] : memref<512x512xf32, #tpu.memory_space<vmem>>, vector<512x512xf32>
    %dot_general3A = arith.constant dense<0.000000e+00> : vector<2048x512xf32>
    %dot_general3A_48 = tpu.matmul %mul3A_44, %get3A_47, %dot_general3A {dimension_numbers = #tpu.dot_dimension_numbers<[1], [0], [0], [1], [0, 0, 1, 1], [], []>, transpose_lhs_hint = false} : vector<2048x512xf32>, vector<512x512xf32>, vector<2048x512xf32> -> vector<2048x512xf32>
    %get3A_49 = arith.constant 0 : index
    %get3A_50 = arith.constant 0 : index
    %get3A_51 = vector.load %arg6[%get3A_49, %get3A_50] : memref<1x512xf32, #tpu.memory_space<vmem>>, vector<1x512xf32>
    %add3A_52 = vector.broadcast %get3A_51 : vector<1x512xf32> to vector<2048x512xf32>
    %add3A_53 = arith.addf %dot_general3A_48, %add3A_52 : vector<2048x512xf32>
    %mul3A_54 = arith.constant 5.000000e-01 : f32
    %mul3A_55 = vector.broadcast %mul3A_54 : f32 to vector<2048x512xf32>
    %mul3A_56 = arith.mulf %mul3A_55, %add3A_53 : vector<2048x512xf32>
    %mul3A_57 = arith.constant 0.707106769 : f32
    %mul3A_58 = vector.broadcast %mul3A_57 : f32 to vector<2048x512xf32>
    %mul3A_59 = arith.mulf %add3A_53, %mul3A_58 : vector<2048x512xf32>
    %erf3A_60 = math.erf %mul3A_59 : vector<2048x512xf32>
    %add3A_61 = arith.constant 1.000000e+00 : f32
    %add3A_62 = vector.broadcast %add3A_61 : f32 to vector<2048x512xf32>
    %add3A_63 = arith.addf %add3A_62, %erf3A_60 : vector<2048x512xf32>
    %mul3A_64 = arith.mulf %mul3A_56, %add3A_63 : vector<2048x512xf32>
    %get3A_65 = arith.constant 0 : index
    %get3A_66 = arith.constant 0 : index
    %get3A_67 = vector.load %arg7[%get3A_65, %get3A_66] : memref<512x512xf32, #tpu.memory_space<vmem>>, vector<512x512xf32>
    %dot_general3A_68 = arith.constant dense<0.000000e+00> : vector<2048x512xf32>
    %dot_general3A_69 = tpu.matmul %mul3A_64, %get3A_67, %dot_general3A_68 {dimension_numbers = #tpu.dot_dimension_numbers<[1], [0], [0], [1], [0, 0, 1, 1], [], []>, transpose_lhs_hint = false} : vector<2048x512xf32>, vector<512x512xf32>, vector<2048x512xf32> -> vector<2048x512xf32>
    %get3A_70 = arith.constant 0 : index
    %get3A_71 = arith.constant 0 : index
    %get3A_72 = vector.load %arg8[%get3A_70, %get3A_71] : memref<1x512xf32, #tpu.memory_space<vmem>>, vector<1x512xf32>
    %add3A_73 = vector.broadcast %get3A_72 : vector<1x512xf32> to vector<2048x512xf32>
    %add3A_74 = arith.addf %dot_general3A_69, %add3A_73 : vector<2048x512xf32>
    %mul3A_75 = arith.constant 5.000000e-01 : f32
    %mul3A_76 = vector.broadcast %mul3A_75 : f32 to vector<2048x512xf32>
    %mul3A_77 = arith.mulf %mul3A_76, %add3A_74 : vector<2048x512xf32>
    %mul3A_78 = arith.constant 0.707106769 : f32
    %mul3A_79 = vector.broadcast %mul3A_78 : f32 to vector<2048x512xf32>
    %mul3A_80 = arith.mulf %add3A_74, %mul3A_79 : vector<2048x512xf32>
    %erf3A_81 = math.erf %mul3A_80 : vector<2048x512xf32>
    %add3A_82 = arith.constant 1.000000e+00 : f32
    %add3A_83 = vector.broadcast %add3A_82 : f32 to vector<2048x512xf32>
    %add3A_84 = arith.addf %add3A_83, %erf3A_81 : vector<2048x512xf32>
    %mul3A_85 = arith.mulf %mul3A_77, %add3A_84 : vector<2048x512xf32>
    %get3A_86 = arith.constant 0 : index
    %get3A_87 = arith.constant 0 : index
    %get3A_88 = vector.load %arg9[%get3A_86, %get3A_87] : memref<512x768xf32, #tpu.memory_space<vmem>>, vector<512x768xf32>
    %dot_general3A_89 = arith.constant dense<0.000000e+00> : vector<2048x768xf32>
    %dot_general3A_90 = tpu.matmul %mul3A_85, %get3A_88, %dot_general3A_89 {dimension_numbers = #tpu.dot_dimension_numbers<[1], [0], [0], [1], [0, 0, 1, 1], [], []>, transpose_lhs_hint = false} : vector<2048x512xf32>, vector<512x768xf32>, vector<2048x768xf32> -> vector<2048x768xf32>
    %get3A_91 = arith.constant 0 : index
    %get3A_92 = arith.constant 0 : index
    %get3A_93 = vector.load %arg10[%get3A_91, %get3A_92] : memref<1x768xf32, #tpu.memory_space<vmem>>, vector<1x768xf32>
    %add3A_94 = vector.broadcast %get3A_93 : vector<1x768xf32> to vector<2048x768xf32>
    %add3A_95 = arith.addf %dot_general3A_90, %add3A_94 : vector<2048x768xf32>
    %reshape3A = vector.shape_cast %add3A_95 : vector<2048x768xf32> to vector<64x32x768xf32>
    %reduce_max3A = arith.constant dense<0xFF800000> : vector<64x768xf32>
    %reduce_max3A_96 = vector.multi_reduction <maximumf>, %reshape3A, %reduce_max3A [1] : vector<64x32x768xf32> to vector<64x768xf32>
    %swap3A = arith.constant 0 : index
    %swap3A_97 = arith.constant 0 : index
    %swap3A_98 = vector.load %arg11[%swap3A, %swap3A_97] : memref<64x768xf32, #tpu.memory_space<vmem>>, vector<64x768xf32>
    tpu.vector_store %arg11[%swap3A, %swap3A_97], %reduce_max3A_96 {strides = array<i32>} : memref<64x768xf32, #tpu.memory_space<vmem>>, vector<64x768xf32>,
    return
  }
  func.func @transform_0(%arg0: i32) -> (i32, i32) {
    %c0_i32 = arith.constant 0 : i32
    %c0_i32_0 = arith.constant 0 : i32
    return %arg0, %c0_i32 : i32, i32
  }
  func.func @transform_1(%arg0: i32) -> (i32, i32) {
    %c0_i32 = arith.constant 0 : i32
    %c0_i32_0 = arith.constant 0 : i32
    return %arg0, %c0_i32 : i32, i32
  }
  func.func @transform_2(%arg0: i32) -> (i32, i32) {
    %c0_i32 = arith.constant 0 : i32
    %c0_i32_0 = arith.constant 0 : i32
    %c0_i32_1 = arith.constant 0 : i32
    return %c0_i32, %c0_i32_0 : i32, i32
  }
  func.func @transform_3(%arg0: i32) -> (i32, i32) {
    %c0_i32 = arith.constant 0 : i32
    %c0_i32_0 = arith.constant 0 : i32
    %c0_i32_1 = arith.constant 0 : i32
    return %c0_i32, %c0_i32_0 : i32, i32
  }
  func.func @transform_4(%arg0: i32) -> (i32, i32) {
    %c0_i32 = arith.constant 0 : i32
    %c0_i32_0 = arith.constant 0 : i32
    %c0_i32_1 = arith.constant 0 : i32
    return %c0_i32, %c0_i32_0 : i32, i32
  }
  func.func @transform_5(%arg0: i32) -> (i32, i32) {
    %c0_i32 = arith.constant 0 : i32
    %c0_i32_0 = arith.constant 0 : i32
    %c0_i32_1 = arith.constant 0 : i32
    return %c0_i32, %c0_i32_0 : i32, i32
  }
  func.func @transform_6(%arg0: i32) -> (i32, i32) {
    %c0_i32 = arith.constant 0 : i32
    %c0_i32_0 = arith.constant 0 : i32
    %c0_i32_1 = arith.constant 0 : i32
    return %c0_i32, %c0_i32_0 : i32, i32
  }
  func.func @transform_7(%arg0: i32) -> (i32, i32) {
    %c0_i32 = arith.constant 0 : i32
    %c0_i32_0 = arith.constant 0 : i32
    %c0_i32_1 = arith.constant 0 : i32
    return %c0_i32, %c0_i32_0 : i32, i32
  }
  func.func @transform_8(%arg0: i32) -> (i32, i32) {
    %c0_i32 = arith.constant 0 : i32
    %c0_i32_0 = arith.constant 0 : i32
    %c0_i32_1 = arith.constant 0 : i32
    return %c0_i32, %c0_i32_0 : i32, i32
  }
  func.func @transform_9(%arg0: i32) -> (i32, i32) {
    %c0_i32 = arith.constant 0 : i32
    %c0_i32_0 = arith.constant 0 : i32
    %c0_i32_1 = arith.constant 0 : i32
    return %c0_i32, %c0_i32_0 : i32, i32
  }
  func.func @transform_10(%arg0: i32) -> (i32, i32) {
    %c0_i32 = arith.constant 0 : i32
    %c0_i32_0 = arith.constant 0 : i32
    return %arg0, %c0_i32 : i32, i32
  }
}

</mosaic_0001>

<sc_bundles>
// kernel: kernel.6.cloned.1.call-start
scs
__scs_entry_jumppad:
0x0: {  	(pc) =	sbr.rel $0x88, $3  }
0x1: {  	(tag) =	ssettag $0x0;
	lr =	simm.s32 $0x1  }
0x2: {  	[smem:$0x3F98] =	sst lr;
	_ =	strace $0xD0000000  }
0x3: {  	_ = 	snop  }
0x4: {  	_ = 	snop  }
0x5: {  	_ = 	snop  }
0x6: {  	_ = 	snop  }
0x7: {  	_ = 	snop  }
__scs_overlays_trampoline_lowered:
0x8: {  	[smem:$0x3FA7] =	sst s0  }
0x9: {  	[smem:$0x3FA8] =	sst s1  }
0xa: {  	[smem:$0x3FA9] =	sst s2  }
0xb: {  	[smem:$0x3FAA] =	sst s3  }
0xc: {  	[smem:$0x3FAB] =	sst s4  }
0xd: {  	[smem:$0x3FAC] =	sst s5  }
0xe: {  	[smem:$0x3FAD] =	sst s6  }
0xf: {  	[smem:$0x3FAE] =	sst s7  }
0x10: {  	[smem:$0x3FAF] =	sst s8  }
0x11: {  	[smem:$0x3FB0] =	sst s9;
	s0 =	simm.s32 @!p0 $0x0  }
0x12: {  	s1 =	sld [smem:$0x3F96];
	s0 =	simm.s32 @p0 $0x1  }
0x13: {  	[smem:$0x3FB1] =	sst s0;
	s0 =	simm.s32 @!p1 $0x0  }
0x14: {  	s2 =	sld [smem:$0x3F95];
	s0 =	simm.s32 @p1 $0x1  }
0x15: {  	[smem:$0x3FB2] =	sst s0;
	s0 =	simm.s32 @!p2 $0x0  }
0x16: {  	s3 =	sld [smem:$0x3FDB];
	s0 =	simm.s32 @p2 $0x1  }
0x17: {  	s4 =	simm.s32 $0x1BF5;
	[smem:$0x3FB4] =	sst s0  }
0x18: {  	s0 =	sld [smem:$0x3F97];
	_ =	swait.ge [sflag:s4], $0x0  }
0x19: {  	s7 =	sld [smem:$0x3F98]  }
0x1a: {  	s8 =	sadd.s32 $0xFFFFE003, lr  }
0x1b: {  	s9 =	sadd.s32 $0xFFFFFEF7, lr;
	s5 =	simm.s32 $0xFFFFFFFF;
	p2 =	slt.u32 s8, $0xFFFFF086  }
0x1c: {  	p1 =	slt.u32 s9, $0xF7A;
	s5 =	simm.s32 @!p2 $0x0  }
0x1d: {  	s5 =	simm.s32 @p1 $0x1;
	p0 =	seq.s32 s7, s2  }
0x1e: {  	s7 =	smul.u32 @!p0 $0xF7A, s2;
	p2 =	seq.s32 @!p0 s5, $0x0  }
0x1f: {  	s9 =	smul.u32 $0xF7A, s1;
	s8 =	simm.s32 @!p0 $0x1BF5;
	p2 =	por !p2, p0  }
0x20: {  	[sflag:s8] =	ssyncset.s32 @!p0 $0xFFFFF086;
	s6 =	sadd.s32 @!p0 s3, s7;
	s7 =	simm.s32 @!p0 $0x108  }
0x21: {  	s3 =	sadd.s32 s3, s9;
	s6 =	sadd.s32 @!p0 $0x88, s6;
	s7 =	simm.s32 @p2 $0x1082  }
0x22: {  	[simem:s7], [sflag:s8] =	dma.local @!p0 [hbm:s6], $0xF7A  }
0x23: {  	s9 =	sor.u32 $0xD0000000, s2;
	s6 =	simm.s32 $0x108;
	_ =	swait.ge @!p0 [sflag:s8], $0x0  }
0x24: {  	s3 =	sadd.s32 $0x88, s3;
	s6 =	simm.s32 @!p1 $0x1082;
	[sflag:s4] =	ssyncset.s32 $0xFFFFF086  }
0x25: {  	[simem:s6], [sflag:s4] =	dma.local [hbm:s3], $0xF7A  }
0x26: {  	[smem:$0x3F98] =	sst s1;
	(tag) =	ssettag s2;
	_ =	strace s9  }
0x27: {  	s1 =	sld [smem:$0x3FA8]  }
0x28: {  	s2 =	sld [smem:$0x3FA9]  }
0x29: {  	s4 =	sld [smem:$0x3FAB]  }
0x2a: {  	p0 =	seq.s32 s5, $0x0;
	s5 =	sld [smem:$0x3FAC]  }
0x2b: {  	s6 =	sld [smem:$0x3FAD]  }
0x2c: {  	s7 =	sld [smem:$0x3FAE]  }
0x2d: {  	s3 =	simm.s32 $0x108;
	s8 =	sld [smem:$0x3FAF]  }
0x2e: {  	s3 =	simm.s32 @!p0 $0x1082;
	s9 =	sld [smem:$0x3FB0]  }
0x2f: {  	lr =	sadd.s32 s0, s3;
	s0 =	sld [smem:$0x3FA7]  }
0x30: {  	s3 =	sld [smem:$0x3FAA]  }
0x31: {  	[smem:$0x3FB3] =	sst s10  }
0x32: {  	s10 =	sld [smem:$0x3FB1];
	_ =	sdelay $0x3  }
0x33: {  	p0 =	seq.s32 s10, $0x1;
	s10 =	sld [smem:$0x3FB3];
	_ =	sdelay $0x3  }
0x34: {  	[smem:$0x3FB3] =	sst s10  }
0x35: {  	s10 =	sld [smem:$0x3FB2];
	_ =	sdelay $0x3  }
0x36: {  	p1 =	seq.s32 s10, $0x1;
	s10 =	sld [smem:$0x3FB3];
	_ =	sdelay $0x3  }
0x37: {  	[smem:$0x3FB3] =	sst s10  }
0x38: {  	s10 =	sld [smem:$0x3FB4]  }
0x39: {  	_ = 	snop;
	(pc) =	sbr.ind lr, $3  }
0x3a: {  	_ = 	snop  }
0x3b: {  	_ = 	snop  }
0x3c: {  	p2 =	seq.s32 s10, $0x1;
	s10 =	sld [smem:$0x3FB3]  }
0x3d: {  	_ =	shalt  }
0x3e: {  	_ =	shalt  }
0x3f: {  	_ =	shalt  }
0x40: {  	_ =	shalt  }
0x41: {  	_ =	shalt  }
0x42: {  	_ =	shalt  }
0x43: {  	_ =	shalt  }
0x44: {  	_ =	shalt  }
0x45: {  	_ =	shalt  }
0x46: {  	_ =	shalt  }
0x47: {  	_ =	shalt  }
0x48: {  	_ =	shalt  }
0x49: {  	_ =	shalt  }
0x4a: {  	_ =	shalt  }
0x4b: {  	_ =	shalt  }
0x4c: {  	_ =	shalt  }
0x4d: {  	_ =	shalt  }
0x4e: {  	_ =	shalt  }
0x4f: {  	_ =	shalt  }
0x50: {  	_ =	shalt  }
0x51: {  	_ =	shalt  }
0x52: {  	_ =	shalt  }
0x53: {  	_ =	shalt  }
0x54: {  	_ =	shalt  }
0x55: {  	_ =	shalt  }
0x56: {  	_ =	shalt  }
0x57: {  	_ =	shalt  }
0x58: {  	_ =	shalt  }
0x59: {  	_ =	shalt  }
0x5a: {  	_ =	shalt  }
0x5b: {  	_ =	shalt  }
0x5c: {  	_ =	shalt  }
0x5d: {  	_ =	shalt  }
0x5e: {  	_ =	shalt  }
0x5f: {  	_ =	shalt  }
0x60: {  	_ =	shalt  }
0x61: {  	_ =	shalt  }
0x62: {  	_ =	shalt  }
0x63: {  	_ =	shalt  }
0x64: {  	_ =	shalt  }
0x65: {  	_ =	shalt  }
0x66: {  	_ =	shalt  }
0x67: {  	_ =	shalt  }
0x68: {  	_ =	shalt  }
0x69: {  	_ =	shalt  }
0x6a: {  	_ =	shalt  }
0x6b: {  	_ =	shalt  }
0x6c: {  	_ =	shalt  }
0x6d: {  	_ =	shalt  }
0x6e: {  	_ =	shalt  }
0x6f: {  	_ =	shalt  }
0x70: {  	_ =	shalt  }
0x71: {  	_ =	shalt  }
0x72: {  	_ =	shalt  }
0x73: {  	_ =	shalt  }
0x74: {  	_ =	shalt  }
0x75: {  	_ =	shalt  }
0x76: {  	_ =	shalt  }
0x77: {  	_ =	shalt  }
0x78: {  	_ =	shalt  }
0x79: {  	_ =	shalt  }
0x7a: {  	_ =	shalt  }
0x7b: {  	_ =	shalt  }
0x7c: {  	_ =	shalt  }
0x7d: {  	_ =	shalt  }
0x7e: {  	_ =	shalt  }
0x7f: {  	_ =	shalt  }
0x80: {  	_ =	shalt  }
0x81: {  	_ =	shalt  }
0x82: {  	_ =	shalt  }
0x83: {  	_ =	shalt  }
0x84: {  	_ =	shalt  }
0x85: {  	_ =	shalt  }
0x86: {  	_ =	shalt  }
0x87: {  	_ =	shalt  }
.Lfunc_end0:
.L_simem_size_0:
called_computation_lowered:
.L_overlay_start_0:
0x88: {  	s2 =	sld [smem:$0x3FD9]  }
0x89: {  	s3 =	sld [smem:$0x3FFE];
	_ =	sdelay $0x1  }
0x8a: {  	s1 =	srdreg.scid  }
0x8b: {  	s0 =	sand.u32 $0x1, s1  }
0x8c: {  	s14 =	sshll.u32 s0, $0xA;
	s2 =	sadd.s32 s3, s2  }
0x8d: {  	s2 =	sadd.s32 s2, s14  }
0x8e: {  	[smem:$0x3FBF] =	sst s2  }
0x8f: {  	_ = 	snop  }
0x90: {  	s2 =	sld [smem:$0x3FD0];
	_ =	sdelay $0x2  }
0x91: {  	s15 =	simm.s32 $0xA;
	s4 =	simm.s32 $0x10  }
0x92: {  	[smem:s4], [sflag:s15] =	dma.local [hbm:s2], $0x1  }
0x93: {  	_ =	swait.eq [sflag:s15], $0x1  }
0x94: {  	[sflag:s15] =	ssyncset.done $0x0  }
0x95: {  	[sflag:s15] =	ssyncadd.s32 $0xFFFFFFFF  }
0x96: {  	s16 =	sld [smem:$0x10];
	(tm) =	ssettm $0x1  }
0x97: {  	s17 =	sld [smem:$0x3FFB];
	_ =	sdelay $0x3  }
0x98: {  	_ =	strace s17  }
0x99: {  	s3 =	sld [smem:$0x3FFC];
	_ =	sdelay $0x3  }
0x9a: {  	_ =	strace s3  }
0x9b: {  	s3 =	sld [smem:$0x3FFD];
	_ =	sdelay $0x3  }
0x9c: {  	_ =	strace s3  }
0x9d: {  	_ =	strace $0x8FFFFFFF  }
0x9e: {  	s18 =	sld [smem:$0x3FDB];
	_ =	sdelay $0x1  }
0x9f: {  	s19 =	simm.s32 $_scs_section_size  }
0xa0: {  	s5 =	simm.s32 $_size__tile_overlayer_lowered;
	s6 =	simm.s32 $_tile_overlayer_lowered  }
0xa1: {  	s22 =	simm.s32 $0x1BFF;
	s21 =	sshll.u32 s6, $0x1;
	s3 =	sadd.s32 s19, s18  }
0xa2: {  	s7 =	simm.s32 $0x0;
	s20 =	sshll.u32 s5, $0x1;
	s5 =	sadd.s32 s21, s3  }
0xa3: {  	[timem:s7], [sflag:s22] =	dma.local [hbm:s5], s20  }
0xa4: {  	_ =	swait.ge [sflag:s22], s20  }
0xa5: {  	s4 =	ssub.s32 $0x0, s20;
	[sflag:s22] =	ssyncset.done $0x0  }
0xa6: {  	[sflag:s22] =	ssyncadd.s32 s4;
	_ =	sdelay $0x1  }
0xa7: {  	s23 =	simm.s32 $0x1B8B  }
0xa8: {  	_ =	swait.ge [sflag:s23], $0x1  }
0xa9: {  	[sflag:s23] =	ssyncset.done $0x0  }
0xaa: {  	s25 =	simm.s32 $0x1B8E;
	s24 =	sld [smem:$0x3FFE];
	[sflag:s23] =	ssyncadd.s32 $0xFFFFFFFF  }
0xab: {  	s26 =	simm.s32 $execute0_lowered;
	[smem:$0x3FD2] =	sst s25  }
0xac: {  	s5 =	sshll.u32 s26, $0x1;
	_ =	strace $0x80000046;
	[dreg:$0x1] =	wrdreg $0xFFFFFFFF  }
0xad: {  	s28 =	simm.s32 $_size_execute0_lowered;
	s3 =	sadd.s32 s3, s5;
	[dreg:$0x0] =	wrdreg $0x0  }
0xae: {  	s5 =	sshll.u32 s28, $0x1;
	[dreg:$0x2] =	wrdreg s3  }
0xaf: {  	[dreg:$0x3] =	wrdreg s5  }
0xb0: {  	[dreg:$0x4] =	wrdreg $0xC0  }
0xb1: {  	_ =	task [dreg:s7], $0x5FFFF  }
0xb2: {  	[dreg:$0x1] =	wrdreg $0xFFFFFFFF  }
0xb3: {  	[dreg:$0x0] =	wrdreg $0x60  }
0xb4: {  	[dreg:$0x2] =	wrdreg s24  }
0xb5: {  	[dreg:$0x3] =	wrdreg s16  }
0xb6: {  	[dreg:$0x4] =	wrdreg $0x9  }
0xb7: {  	_ =	task.clear_ibuf [dreg:s7], $0x5FFFF;
	_ =	strace $0x90000046  }
0xb8: {  	s29 =	simm.s32 $0x9;
	_ =	strace $0x80000048  }
0xb9: {  	_ =	swait.ge [sflag:s29], $0x1  }
0xba: {  	[sflag:s29] =	ssyncadd.s32 $0xFFFFFFFF  }
0xbb: {  	_ =	strace $0x90000048  }
0xbc: {  	_ =	sfence  }
0xbd: {  	s30 =	sld [smem:$0x0];
	_ =	sdelay $0x2  }
0xbe: {  	s31 =	sshll.u32 s1, $0xD;
	s1 =	sshrl.u32 s1, $0x2  }
0xbf: {  	s3 =	sand.u32 $0x4000, s31;
	s1 =	sadd.s32 s1, s30  }
0xc0: {  	s0 =	sor.u32 s3, s0;
	s1 =	sshll.u32 s1, $0x11  }
0xc1: {  	s0 =	sor.u32 s1, s0  }
0xc2: {  	s0 =	sadd.s32 $0x8F2B, s0  }
0xc3: {  	[sflag:s0] =	ssyncadd.remote.s32 $0x1  }
0xc4: {  	_ =	sfence.sel $0xFFFF  }
0xc5: {  	[dreg:$0x0] =	wrdreg $0xFFFFFFFF;
	(pc) =	sbr.abs _section_cstart, $3  }
0xc6: {  	[dreg:$0x1] =	wrdreg $0xFFFFFFFF  }
0xc7: {  	_ =	task.clear_ibuf [dreg:s7], $0x2FFFF;
	_ =	strace $0x9FFFFFFF  }
0xc8: {  	(tm) =	ssettm $0x7FFFFFFF  }
0xc9: {  	_ =	shalt  }
tec
execute0_lowered:
.L_overlay_start_1:
0x0: {  	(tag) =	ssettag $0x1  }
0x1: {  	s1 =	srdreg.scid;
	s0 =	stileid.u32  }
0x2: {  	s3 =	rddreg [dreg:$0x0];
	s1 =	sand.u32 $0x1, s1;
	s2 =	sshll.u32 s0, $0x1  }
0x3: {  	s4 =	rddreg [dreg:$0x1];
	s5 =	sor.u32 s1, s2;
	s2 =	simm.s32 $0x0  }
0x4: {  	s11 =	simm.s32 $0x1800;
	[smem:$0x7FF] =	sst s2  }
0x5: {  	s12 =	simm.s32 $0x100;
	_ =	strace $0x80000047;
	[dreg:$0x5] =	wrdreg s11  }
0x6: {  	s13 =	simm.s32 $0x2000;
	[dreg:$0x6] =	wrdreg s12  }
0x7: {  	s14 =	simm.s32 $0x180;
	[dreg:$0x7] =	wrdreg s13  }
0x8: {  	s15 =	simm.s32 $0x2800;
	[dreg:$0x8] =	wrdreg s14  }
0x9: {  	s16 =	simm.s32 $0x200;
	[dreg:$0x9] =	wrdreg s15  }
0xa: {  	s17 =	simm.s32 $0x3000;
	[dreg:$0xa] =	wrdreg s16  }
0xb: {  	s18 =	simm.s32 $0x280;
	[dreg:$0xb] =	wrdreg s17  }
0xc: {  	s19 =	simm.s32 $0x3800;
	[dreg:$0xc] =	wrdreg s18  }
0xd: {  	s20 =	simm.s32 $0x300;
	[dreg:$0xd] =	wrdreg s19  }
0xe: {  	s21 =	simm.s32 $0x4000;
	[dreg:$0xe] =	wrdreg s20  }
0xf: {  	s22 =	simm.s32 $0x380;
	[dreg:$0xf] =	wrdreg s21  }
0x10: {  	s23 =	simm.s32 $0x4800;
	[dreg:$0x10] =	wrdreg s22  }
0x11: {  	s24 =	simm.s32 $0x400;
	[dreg:$0x11] =	wrdreg s23  }
0x12: {  	s25 =	simm.s32 $0x5000;
	[dreg:$0x12] =	wrdreg s24  }
0x13: {  	s26 =	simm.s32 $0x480;
	[dreg:$0x13] =	wrdreg s25  }
0x14: {  	s0 =	simm.s32 $0x5800;
	[dreg:$0x14] =	wrdreg s26  }
0x15: {  	s7 =	simm.s32 $0x580;
	[dreg:$0x15] =	wrdreg s0  }
0x16: {  	s8 =	simm.s32 $0x6800;
	[dreg:$0x18] =	wrdreg s7  }
0x17: {  	s9 =	simm.s32 $0x600;
	s10 =	simm.s32 $0x7000;
	[dreg:$0x19] =	wrdreg s8  }
0x18: {  	s6 =	sshll.u32 s5, $0x9;
	s5 =	sshll.u32 s5, $0xD;
	[dreg:$0x1a] =	wrdreg s9  }
0x19: {  	s4 =	sadd.s32 s4, s5;
	[dreg:$0x1b] =	wrdreg s10  }
0x1a: {  	s5 =	simm.s32 $0x500;
	[dreg:$0x4] =	wrdreg s4  }
0x1b: {  	s11 =	simm.s32 $0x680;
	[dreg:$0x16] =	wrdreg s5  }
0x1c: {  	s12 =	simm.s32 $0x7800;
	[dreg:$0x1c] =	wrdreg s11  }
0x1d: {  	s13 =	simm.s32 $0x700;
	[dreg:$0x1d] =	wrdreg s12  }
0x1e: {  	s14 =	simm.s32 $0x8000;
	[dreg:$0x1e] =	wrdreg s13  }
0x1f: {  	s15 =	simm.s32 $0x780;
	[dreg:$0x1f] =	wrdreg s14  }
0x20: {  	s16 =	simm.s32 $0x8800;
	[smem:$0x7F4] =	sst s15  }
0x21: {  	s17 =	simm.s32 $0x800;
	[smem:$0x7F3] =	sst s16  }
0x22: {  	s18 =	simm.s32 $0x9000;
	[smem:$0x7F6] =	sst s17  }
0x23: {  	s19 =	simm.s32 $0x880;
	[smem:$0x7F8] =	sst s18  }
0x24: {  	s20 =	simm.s32 $0x9800;
	[smem:$0x7F9] =	sst s19  }
0x25: {  	s21 =	simm.s32 $0x900;
	[smem:$0x7F5] =	sst s20  }
0x26: {  	s22 =	simm.s32 $0xA000;
	[smem:$0x7FA] =	sst s21  }
0x27: {  	s23 =	simm.s32 $0x980;
	[smem:$0x7F7] =	sst s22  }
0x28: {  	s24 =	simm.s32 $0xA800;
	[smem:$0x7FB] =	sst s23  }
0x29: {  	s6 =	sadd.s32 s6, s3;
	s26 =	simm.s32 $0xA00;
	[smem:$0x7FC] =	sst s24  }
0x2a: {  	s6 =	sadd.s32 $0x80000, s6;
	[smem:$0x7FD] =	sst s26  }
0x2b: {  	[dreg:$0x3] =	wrdreg s6;
	s6 =	simm.s32 $0x6000  }
0x2c: {  	[dreg:$0x17] =	wrdreg s6  }
0x2d: {  	s4 =	simm.s32 $0x2;
	s25 =	rddreg [dreg:$0x3]  }
0x2e: {  	[tilespmem:s2], [sflag:$0x2] =	stream.linear.gather [hbm4b:s25+s2], $0x1000, $0x38;
	[tilespmem:$0x11000] =	vst v63  }
0x2f: {  	_ =	swait.ge [sflag:s4], $0x1000  }
0x30: {  	s7 =	rddreg [dreg:$0x8]  }
0x31: {  	s8 =	rddreg [dreg:$0xb]  }
0x32: {  	s9 =	rddreg [dreg:$0xd]  }
0x33: {  	s10 =	rddreg [dreg:$0x6]  }
0x34: {  	s5 =	simm.s32 $0x1000;
	[sflag:s4] =	ssyncset.done $0x0;
	s11 =	rddreg [dreg:$0x5]  }
0x35: {  	s6 =	simm.s32 $0x80;
	s12 =	rddreg [dreg:$0x7];
	[sflag:s4] =	ssyncadd.s32 $0xFFFFF000  }
0x36: {  	[tilespmem:s5], [sflag:$0x1] =	stream.indirect.gather [hbm4b:s3+s6], $0x10, s2, s6, $0xb8;
	[tilespmem:$0x11000] =	vst v63  }
0x37: {  	s13 =	rddreg [dreg:$0x9]  }
0x38: {  	[tilespmem:s11], [sflag:$0x1] =	stream.indirect.gather [hbm4b:s3+s6], $0x10, s6, s6, $0xb8;
	[tilespmem:$0x11000] =	vst v63  }
0x39: {  	s14 =	rddreg [dreg:$0xa]  }
0x3a: {  	[tilespmem:s12], [sflag:$0x1] =	stream.indirect.gather [hbm4b:s3+s6], $0x10, s10, s6, $0xb8;
	[tilespmem:$0x11000] =	vst v63  }
0x3b: {  	s0 =	rddreg [dreg:$0xc]  }
0x3c: {  	[tilespmem:s13], [sflag:$0x1] =	stream.indirect.gather [hbm4b:s3+s6], $0x10, s7, s6, $0xb8;
	[tilespmem:$0x11000] =	vst v63  }
0x3d: {  	s15 =	rddreg [dreg:$0xf]  }
0x3e: {  	[tilespmem:s8], [sflag:$0x1] =	stream.indirect.gather [hbm4b:s3+s6], $0x10, s14, s6, $0xb8;
	[tilespmem:$0x11000] =	vst v63  }
0x3f: {  	s16 =	rddreg [dreg:$0xe]  }
0x40: {  	[tilespmem:s9], [sflag:$0x1] =	stream.indirect.gather [hbm4b:s3+s6], $0x10, s0, s6, $0xb8;
	[tilespmem:$0x11000] =	vst v63  }
0x41: {  	s17 =	rddreg [dreg:$0x10]  }
0x42: {  	[tilespmem:s15], [sflag:$0x1] =	stream.indirect.gather [hbm4b:s3+s6], $0x10, s16, s6, $0xb8;
	[tilespmem:$0x11000] =	vst v63  }
0x43: {  	s18 =	rddreg [dreg:$0x11];
	s7 =	simm.s32 $0x1  }
0x44: {  	[tilespmem:s18], [sflag:$0x1] =	stream.indirect.gather [hbm4b:s3+s6], $0x10, s17, s6, $0xb8;
	[tilespmem:$0x11000] =	vst v63  }
0x45: {  	_ =	swait.ge [sflag:s7], $0x800  }
0x46: {  	[sflag:s7] =	ssyncset.done $0x0  }
0x47: {  	[sflag:s7] =	ssyncadd.s32 $0xFFFFF800  }
0x48: {  	_ =	swait.ge [sflag:s7], $0x800  }
0x49: {  	[sflag:s7] =	ssyncset.done $0x0  }
0x4a: {  	[sflag:s7] =	ssyncadd.s32 $0xFFFFF800  }
0x4b: {  	_ =	swait.ge [sflag:s7], $0x800  }
0x4c: {  	[sflag:s7] =	ssyncset.done $0x0  }
0x4d: {  	[sflag:s7] =	ssyncadd.s32 $0xFFFFF800  }
0x4e: {  	_ =	swait.ge [sflag:s7], $0x800  }
0x4f: {  	[sflag:s7] =	ssyncset.done $0x0  }
0x50: {  	[sflag:s7] =	ssyncadd.s32 $0xFFFFF800  }
0x51: {  	_ =	swait.ge [sflag:s7], $0x800  }
0x52: {  	[sflag:s7] =	ssyncset.done $0x0  }
0x53: {  	[sflag:s7] =	ssyncadd.s32 $0xFFFFF800  }
0x54: {  	_ =	swait.ge [sflag:s7], $0x800  }
0x55: {  	[sflag:s7] =	ssyncset.done $0x0  }
0x56: {  	[sflag:s7] =	ssyncadd.s32 $0xFFFFF800  }
0x57: {  	_ =	swait.ge [sflag:s7], $0x800  }
0x58: {  	[sflag:s7] =	ssyncset.done $0x0  }
0x59: {  	[sflag:s7] =	ssyncadd.s32 $0xFFFFF800  }
0x5a: {  	_ =	swait.ge [sflag:s7], $0x800  }
0x5b: {  	s19 =	rddreg [dreg:$0x16]  }
0x5c: {  	s20 =	rddreg [dreg:$0x1f]  }
0x5d: {  	s21 =	rddreg [dreg:$0x1b]  }
0x5e: {  	s22 =	rddreg [dreg:$0x12]  }
0x5f: {  	s23 =	rddreg [dreg:$0x14]  }
0x60: {  	s24 =	rddreg [dreg:$0x17]  }
0x61: {  	s25 =	rddreg [dreg:$0x13]  }
0x62: {  	s15 =	rddreg [dreg:$0x19]  }
0x63: {  	[sflag:s7] =	ssyncset.done $0x0;
	s16 =	rddreg [dreg:$0x15]  }
0x64: {  	s17 =	rddreg [dreg:$0x18];
	[sflag:s7] =	ssyncadd.s32 $0xFFFFF800  }
0x65: {  	[tilespmem:s25], [sflag:$0x1] =	stream.indirect.gather [hbm4b:s3+s6], $0x10, s22, s6, $0xb8;
	[tilespmem:$0x11000] =	vst v63  }
0x66: {  	s26 =	rddreg [dreg:$0x1a]  }
0x67: {  	[tilespmem:s16], [sflag:$0x1] =	stream.indirect.gather [hbm4b:s3+s6], $0x10, s23, s6, $0xb8;
	[tilespmem:$0x11000] =	vst v63  }
0x68: {  	s0 =	rddreg [dreg:$0x1d]  }
0x69: {  	[tilespmem:s24], [sflag:$0x1] =	stream.indirect.gather [hbm4b:s3+s6], $0x10, s19, s6, $0xb8;
	[tilespmem:$0x11000] =	vst v63  }
0x6a: {  	s13 =	rddreg [dreg:$0x1c]  }
0x6b: {  	[tilespmem:s15], [sflag:$0x1] =	stream.indirect.gather [hbm4b:s3+s6], $0x10, s17, s6, $0xb8;
	[tilespmem:$0x11000] =	vst v63  }
0x6c: {  	s14 =	rddreg [dreg:$0x1e]  }
0x6d: {  	[tilespmem:s21], [sflag:$0x1] =	stream.indirect.gather [hbm4b:s3+s6], $0x10, s26, s6, $0xb8;
	[tilespmem:$0x11000] =	vst v63  }
0x6e: {  	s16 =	sld [smem:$0x7F4]  }
0x6f: {  	[tilespmem:s0], [sflag:$0x1] =	stream.indirect.gather [hbm4b:s3+s6], $0x10, s13, s6, $0xb8;
	[tilespmem:$0x11000] =	vst v63  }
0x70: {  	s15 =	sld [smem:$0x7F3]  }
0x71: {  	[tilespmem:s20], [sflag:$0x1] =	stream.indirect.gather [hbm4b:s3+s6], $0x10, s14, s6, $0xb8;
	[tilespmem:$0x11000] =	vst v63  }
0x72: {  	_ = 	snop  }
0x73: {  	[tilespmem:s15], [sflag:$0x1] =	stream.indirect.gather [hbm4b:s3+s6], $0x10, s16, s6, $0xb8;
	[tilespmem:$0x11000] =	vst v63  }
0x74: {  	_ =	swait.ge [sflag:s7], $0x800  }
0x75: {  	[sflag:s7] =	ssyncset.done $0x0  }
0x76: {  	[sflag:s7] =	ssyncadd.s32 $0xFFFFF800  }
0x77: {  	_ =	swait.ge [sflag:s7], $0x800  }
0x78: {  	[sflag:s7] =	ssyncset.done $0x0  }
0x79: {  	[sflag:s7] =	ssyncadd.s32 $0xFFFFF800  }
0x7a: {  	_ =	swait.ge [sflag:s7], $0x800  }
0x7b: {  	[sflag:s7] =	ssyncset.done $0x0  }
0x7c: {  	[sflag:s7] =	ssyncadd.s32 $0xFFFFF800  }
0x7d: {  	_ =	swait.ge [sflag:s7], $0x800  }
0x7e: {  	[sflag:s7] =	ssyncset.done $0x0  }
0x7f: {  	[sflag:s7] =	ssyncadd.s32 $0xFFFFF800  }
0x80: {  	_ =	swait.ge [sflag:s7], $0x800  }
0x81: {  	[sflag:s7] =	ssyncset.done $0x0  }
0x82: {  	[sflag:s7] =	ssyncadd.s32 $0xFFFFF800  }
0x83: {  	_ =	swait.ge [sflag:s7], $0x800  }
0x84: {  	[sflag:s7] =	ssyncset.done $0x0  }
0x85: {  	[sflag:s7] =	ssyncadd.s32 $0xFFFFF800  }
0x86: {  	_ =	swait.ge [sflag:s7], $0x800  }
0x87: {  	[sflag:s7] =	ssyncset.done $0x0  }
0x88: {  	[sflag:s7] =	ssyncadd.s32 $0xFFFFF800  }
0x89: {  	_ =	swait.ge [sflag:s7], $0x800  }
0x8a: {  	s17 =	sld [smem:$0x7F5]  }
0x8b: {  	s18 =	sld [smem:$0x7F6]  }
0x8c: {  	s19 =	sld [smem:$0x7F7]  }
0x8d: {  	s20 =	sld [smem:$0x7F8]  }
0x8e: {  	[sflag:s7] =	ssyncset.done $0x0;
	s21 =	sld [smem:$0x7F9]  }
0x8f: {  	s22 =	sld [smem:$0x7FA];
	[sflag:s7] =	ssyncadd.s32 $0xFFFFF800  }
0x90: {  	[tilespmem:s20], [sflag:$0x1] =	stream.indirect.gather [hbm4b:s3+s6], $0x10, s18, s6, $0xb8;
	[tilespmem:$0x11000] =	vst v63  }
0x91: {  	s23 =	sld [smem:$0x7FB]  }
0x92: {  	[tilespmem:s17], [sflag:$0x1] =	stream.indirect.gather [hbm4b:s3+s6], $0x10, s21, s6, $0xb8;
	[tilespmem:$0x11000] =	vst v63  }
0x93: {  	s24 =	sld [smem:$0x7FC]  }
0x94: {  	[tilespmem:s19], [sflag:$0x1] =	stream.indirect.gather [hbm4b:s3+s6], $0x10, s22, s6, $0xb8;
	[tilespmem:$0x11000] =	vst v63  }
0x95: {  	s25 =	sld [smem:$0x7FD]  }
0x96: {  	[tilespmem:s24], [sflag:$0x1] =	stream.indirect.gather [hbm4b:s3+s6], $0x10, s23, s6, $0xb8;
	[tilespmem:$0x11000] =	vst v63  }
0x97: {  	s26 =	simm.s32 $0xB000  }
0x98: {  	[tilespmem:s26], [sflag:$0x1] =	stream.indirect.gather [hbm4b:s3+s6], $0x10, s25, s6, $0xb8;
	[tilespmem:$0x11000] =	vst v63  }
0x99: {  	s8 =	simm.s32 $0xA80;
	s9 =	simm.s32 $0xB800  }
0x9a: {  	[tilespmem:s9], [sflag:$0x1] =	stream.indirect.gather [hbm4b:s3+s6], $0x10, s8, s6, $0xb8;
	[tilespmem:$0x11000] =	vst v63  }
0x9b: {  	s11 =	simm.s32 $0xC000;
	s10 =	simm.s32 $0xB00  }
0x9c: {  	[tilespmem:s11], [sflag:$0x1] =	stream.indirect.gather [hbm4b:s3+s6], $0x10, s10, s6, $0xb8;
	[tilespmem:$0x11000] =	vst v63  }
0x9d: {  	s12 =	simm.s32 $0xB80;
	s13 =	simm.s32 $0xC800  }
0x9e: {  	[tilespmem:s13], [sflag:$0x1] =	stream.indirect.gather [hbm4b:s3+s6], $0x10, s12, s6, $0xb8;
	[tilespmem:$0x11000] =	vst v63  }
0x9f: {  	_ =	swait.ge [sflag:s7], $0x800  }
0xa0: {  	[sflag:s7] =	ssyncset.done $0x0  }
0xa1: {  	[sflag:s7] =	ssyncadd.s32 $0xFFFFF800  }
0xa2: {  	_ =	swait.ge [sflag:s7], $0x800  }
0xa3: {  	[sflag:s7] =	ssyncset.done $0x0  }
0xa4: {  	[sflag:s7] =	ssyncadd.s32 $0xFFFFF800  }
0xa5: {  	_ =	swait.ge [sflag:s7], $0x800  }
0xa6: {  	[sflag:s7] =	ssyncset.done $0x0  }
0xa7: {  	[sflag:s7] =	ssyncadd.s32 $0xFFFFF800  }
0xa8: {  	_ =	swait.ge [sflag:s7], $0x800  }
0xa9: {  	[sflag:s7] =	ssyncset.done $0x0  }
0xaa: {  	[sflag:s7] =	ssyncadd.s32 $0xFFFFF800  }
0xab: {  	_ =	swait.ge [sflag:s7], $0x800  }
0xac: {  	[sflag:s7] =	ssyncset.done $0x0  }
0xad: {  	[sflag:s7] =	ssyncadd.s32 $0xFFFFF800  }
0xae: {  	_ =	swait.ge [sflag:s7], $0x800  }
0xaf: {  	[sflag:s7] =	ssyncset.done $0x0  }
0xb0: {  	[sflag:s7] =	ssyncadd.s32 $0xFFFFF800  }
0xb1: {  	_ =	swait.ge [sflag:s7], $0x800  }
0xb2: {  	[sflag:s7] =	ssyncset.done $0x0  }
0xb3: {  	[sflag:s7] =	ssyncadd.s32 $0xFFFFF800  }
0xb4: {  	_ =	swait.ge [sflag:s7], $0x800  }
0xb5: {  	[sflag:s7] =	ssyncset.done $0x0  }
0xb6: {  	s14 =	simm.s32 $0xC00;
	s15 =	simm.s32 $0xD000;
	[sflag:s7] =	ssyncadd.s32 $0xFFFFF800  }
0xb7: {  	[tilespmem:s15], [sflag:$0x1] =	stream.indirect.gather [hbm4b:s3+s6], $0x10, s14, s6, $0xb8;
	[tilespmem:$0x11000] =	vst v63  }
0xb8: {  	s18 =	simm.s32 $0xD800;
	s17 =	simm.s32 $0xC80  }
0xb9: {  	[tilespmem:s18], [sflag:$0x1] =	stream.indirect.gather [hbm4b:s3+s6], $0x10, s17, s6, $0xb8;
	[tilespmem:$0x11000] =	vst v63  }
0xba: {  	s20 =	simm.s32 $0xE000;
	s19 =	simm.s32 $0xD00  }
0xbb: {  	[tilespmem:s20], [sflag:$0x1] =	stream.indirect.gather [hbm4b:s3+s6], $0x10, s19, s6, $0xb8;
	[tilespmem:$0x11000] =	vst v63  }
0xbc: {  	s21 =	simm.s32 $0xD80;
	s22 =	simm.s32 $0xE800  }
0xbd: {  	[tilespmem:s22], [sflag:$0x1] =	stream.indirect.gather [hbm4b:s3+s6], $0x10, s21, s6, $0xb8;
	[tilespmem:$0x11000] =	vst v63  }
0xbe: {  	s23 =	simm.s32 $0xE00;
	s24 =	simm.s32 $0xF000  }
0xbf: {  	[tilespmem:s24], [sflag:$0x1] =	stream.indirect.gather [hbm4b:s3+s6], $0x10, s23, s6, $0xb8;
	[tilespmem:$0x11000] =	vst v63  }
0xc0: {  	s25 =	simm.s32 $0xE80;
	s26 =	simm.s32 $0xF800  }
0xc1: {  	[tilespmem:s26], [sflag:$0x1] =	stream.indirect.gather [hbm4b:s3+s6], $0x10, s25, s6, $0xb8;
	[tilespmem:$0x11000] =	vst v63  }
0xc2: {  	s28 =	simm.s32 $0xF00;
	s29 =	simm.s32 $0x10000  }
0xc3: {  	[tilespmem:s29], [sflag:$0x1] =	stream.indirect.gather [hbm4b:s3+s6], $0x10, s28, s6, $0xb8;
	[tilespmem:$0x11000] =	vst v63  }
0xc4: {  	s30 =	simm.s32 $0xF80;
	s31 =	simm.s32 $0x10800  }
0xc5: {  	[tilespmem:s31], [sflag:$0x1] =	stream.indirect.gather [hbm4b:s3+s6], $0x10, s30, s6, $0xb8;
	[tilespmem:$0x11000] =	vst v63  }
0xc6: {  	_ =	swait.ge [sflag:s7], $0x800  }
0xc7: {  	[sflag:s7] =	ssyncset.done $0x0  }
0xc8: {  	s1 =	ssub.s32 $0x2, s1;
	[sflag:s7] =	ssyncadd.s32 $0xFFFFF800  }
0xc9: {  	s16 =	sshrl.u32 s1, $0x1;
	_ =	swait.ge [sflag:s7], $0x800  }
0xca: {  	s0 =	ssub.s32 s1, s16;
	[sflag:s7] =	ssyncset.done $0x0  }
0xcb: {  	s0 =	smax.u32 s0, $0x1;
	[sflag:s7] =	ssyncadd.s32 $0xFFFFF800  }
0xcc: {  	p0 =	sne.s32 s0, $0x1;
	_ =	swait.ge [sflag:s7], $0x800  }
.Ltmp0:
0xcd: {  	[sflag:s7] =	ssyncset.done $0x0;
	(pc) =	sbr.rel @!p0 .LBB2_2-.Ltmp0, $4  }
0xce: {  	[sflag:s7] =	ssyncadd.s32 $0xFFFFF800  }
0xcf: {  	_ =	swait.ge [sflag:s7], $0x800  }
0xd0: {  	[sflag:s7] =	ssyncset.done $0x0  }
0xd1: {  	s1 =	sadd.s32 $0xFFFFFFFF, s0;
	[sflag:s7] =	ssyncadd.s32 $0xFFFFF800  }
.LBB2_1:
0xd2: {  	_ =	swait.ge [sflag:s7], $0x800  }
0xd3: {  	[sflag:s7] =	ssyncset.done $0x0  }
0xd4: {  	[sflag:s7] =	ssyncadd.s32 $0xFFFFF800  }
0xd5: {  	_ =	swait.ge [sflag:s7], $0x800  }
0xd6: {  	[sflag:s7] =	ssyncset.done $0x0  }
0xd7: {  	[sflag:s7] =	ssyncadd.s32 $0xFFFFF800  }
0xd8: {  	_ =	swait.ge [sflag:s7], $0x800  }
0xd9: {  	[sflag:s7] =	ssyncset.done $0x0  }
0xda: {  	[sflag:s7] =	ssyncadd.s32 $0xFFFFF800  }
0xdb: {  	_ =	swait.ge [sflag:s7], $0x800  }
0xdc: {  	[sflag:s7] =	ssyncset.done $0x0  }
0xdd: {  	s0 =	rddreg [dreg:$0x4];
	[sflag:s7] =	ssyncadd.s32 $0xFFFFF800  }
0xde: {  	[hbm4b:s0+s2] =	stream.linear.scatter [tilespmem:s5], [sflag:$0x2], $0x10000, $0x38;
	[tilespmem:$0x11000] =	vst v63  }
0xdf: {  	_ =	swait.ge [sflag:s4], $0x10000  }
0xe0: {  	[sflag:s4] =	ssyncset.done $0x0  }
0xe1: {  	s15 =	rddreg [dreg:$0x3];
	[sflag:s4] =	ssyncadd.s32 $0xFFFF0000  }
0xe2: {  	[tilespmem:s2], [sflag:$0x2] =	stream.linear.gather [hbm4b:s15+s2], $0x1000, $0x38;
	[tilespmem:$0x11000] =	vst v63  }
0xe3: {  	_ =	swait.ge [sflag:s4], $0x1000  }
0xe4: {  	s16 =	rddreg [dreg:$0x8]  }
0xe5: {  	s8 =	rddreg [dreg:$0xb]  }
0xe6: {  	s9 =	rddreg [dreg:$0xd]  }
0xe7: {  	s10 =	rddreg [dreg:$0x6]  }
0xe8: {  	[sflag:s4] =	ssyncset.done $0x0;
	s11 =	rddreg [dreg:$0x5]  }
0xe9: {  	s12 =	rddreg [dreg:$0x7];
	[sflag:s4] =	ssyncadd.s32 $0xFFFFF000  }
0xea: {  	[tilespmem:s5], [sflag:$0x1] =	stream.indirect.gather [hbm4b:s3+s6], $0x10, s2, s6, $0xb8;
	[tilespmem:$0x11000] =	vst v63  }
0xeb: {  	s13 =	rddreg [dreg:$0x9]  }
0xec: {  	[tilespmem:s11], [sflag:$0x1] =	stream.indirect.gather [hbm4b:s3+s6], $0x10, s6, s6, $0xb8;
	[tilespmem:$0x11000] =	vst v63  }
0xed: {  	s14 =	rddreg [dreg:$0xa]  }
0xee: {  	[tilespmem:s12], [sflag:$0x1] =	stream.indirect.gather [hbm4b:s3+s6], $0x10, s10, s6, $0xb8;
	[tilespmem:$0x11000] =	vst v63  }
0xef: {  	s15 =	rddreg [dreg:$0xe]  }
0xf0: {  	[tilespmem:s13], [sflag:$0x1] =	stream.indirect.gather [hbm4b:s3+s6], $0x10, s16, s6, $0xb8;
	[tilespmem:$0x11000] =	vst v63  }
0xf1: {  	s11 =	rddreg [dreg:$0xc]  }
0xf2: {  	[tilespmem:s8], [sflag:$0x1] =	stream.indirect.gather [hbm4b:s3+s6], $0x10, s14, s6, $0xb8;
	[tilespmem:$0x11000] =	vst v63  }
0xf3: {  	s10 =	rddreg [dreg:$0xf]  }
0xf4: {  	[tilespmem:s9], [sflag:$0x1] =	stream.indirect.gather [hbm4b:s3+s6], $0x10, s11, s6, $0xb8;
	[tilespmem:$0x11000] =	vst v63  }
0xf5: {  	s12 =	rddreg [dreg:$0x11]  }
0xf6: {  	[tilespmem:s10], [sflag:$0x1] =	stream.indirect.gather [hbm4b:s3+s6], $0x10, s15, s6, $0xb8;
	[tilespmem:$0x11000] =	vst v63  }
0xf7: {  	s16 =	rddreg [dreg:$0x10]  }
0xf8: {  	[tilespmem:s12], [sflag:$0x1] =	stream.indirect.gather [hbm4b:s3+s6], $0x10, s16, s6, $0xb8;
	[tilespmem:$0x11000] =	vst v63  }
0xf9: {  	_ =	swait.ge [sflag:s7], $0x800  }
0xfa: {  	[sflag:s7] =	ssyncset.done $0x0  }
0xfb: {  	[sflag:s7] =	ssyncadd.s32 $0xFFFFF800  }
0xfc: {  	_ =	swait.ge [sflag:s7], $0x800  }
0xfd: {  	[sflag:s7] =	ssyncset.done $0x0  }
0xfe: {  	[sflag:s7] =	ssyncadd.s32 $0xFFFFF800  }
0xff: {  	_ =	swait.ge [sflag:s7], $0x800  }
0x100: {  	[sflag:s7] =	ssyncset.done $0x0  }
0x101: {  	[sflag:s7] =	ssyncadd.s32 $0xFFFFF800  }
0x102: {  	_ =	swait.ge [sflag:s7], $0x800  }
0x103: {  	[sflag:s7] =	ssyncset.done $0x0  }
0x104: {  	[sflag:s7] =	ssyncadd.s32 $0xFFFFF800  }
0x105: {  	_ =	swait.ge [sflag:s7], $0x800  }
0x106: {  	[sflag:s7] =	ssyncset.done $0x0  }
0x107: {  	[sflag:s7] =	ssyncadd.s32 $0xFFFFF800  }
0x108: {  	_ =	swait.ge [sflag:s7], $0x800  }
0x109: {  	[sflag:s7] =	ssyncset.done $0x0  }
0x10a: {  	[sflag:s7] =	ssyncadd.s32 $0xFFFFF800  }
0x10b: {  	_ =	swait.ge [sflag:s7], $0x800  }
0x10c: {  	[sflag:s7] =	ssyncset.done $0x0  }
0x10d: {  	[sflag:s7] =	ssyncadd.s32 $0xFFFFF800  }
0x10e: {  	_ =	swait.ge [sflag:s7], $0x800  }
0x10f: {  	s0 =	rddreg [dreg:$0x16]  }
0x110: {  	s8 =	rddreg [dreg:$0x1f]  }
0x111: {  	s9 =	rddreg [dreg:$0x1b]  }
0x112: {  	s10 =	rddreg [dreg:$0x12]  }
0x113: {  	s11 =	rddreg [dreg:$0x14]  }
0x114: {  	s12 =	rddreg [dreg:$0x17]  }
0x115: {  	s13 =	rddreg [dreg:$0x13]  }
0x116: {  	s14 =	rddreg [dreg:$0x19]  }
0x117: {  	[sflag:s7] =	ssyncset.done $0x0;
	s15 =	rddreg [dreg:$0x15]  }
0x118: {  	s16 =	rddreg [dreg:$0x18];
	[sflag:s7] =	ssyncadd.s32 $0xFFFFF800  }
0x119: {  	[tilespmem:s13], [sflag:$0x1] =	stream.indirect.gather [hbm4b:s3+s6], $0x10, s10, s6, $0xb8;
	[tilespmem:$0x11000] =	vst v63  }
0x11a: {  	s10 =	rddreg [dreg:$0x1a]  }
0x11b: {  	[tilespmem:s15], [sflag:$0x1] =	stream.indirect.gather [hbm4b:s3+s6], $0x10, s11, s6, $0xb8;
	[tilespmem:$0x11000] =	vst v63  }
0x11c: {  	s13 =	rddreg [dreg:$0x1c]  }
0x11d: {  	[tilespmem:s12], [sflag:$0x1] =	stream.indirect.gather [hbm4b:s3+s6], $0x10, s0, s6, $0xb8;
	[tilespmem:$0x11000] =	vst v63  }
0x11e: {  	s11 =	rddreg [dreg:$0x1d]  }
0x11f: {  	[tilespmem:s14], [sflag:$0x1] =	stream.indirect.gather [hbm4b:s3+s6], $0x10, s16, s6, $0xb8;
	[tilespmem:$0x11000] =	vst v63  }
0x120: {  	s15 =	sld [smem:$0x7F3]  }
0x121: {  	[tilespmem:s9], [sflag:$0x1] =	stream.indirect.gather [hbm4b:s3+s6], $0x10, s10, s6, $0xb8;
	[tilespmem:$0x11000] =	vst v63  }
0x122: {  	s14 =	rddreg [dreg:$0x1e]  }
0x123: {  	[tilespmem:s11], [sflag:$0x1] =	stream.indirect.gather [hbm4b:s3+s6], $0x10, s13, s6, $0xb8;
	[tilespmem:$0x11000] =	vst v63  }
0x124: {  	s16 =	sld [smem:$0x7F4]  }
0x125: {  	[tilespmem:s8], [sflag:$0x1] =	stream.indirect.gather [hbm4b:s3+s6], $0x10, s14, s6, $0xb8;
	[tilespmem:$0x11000] =	vst v63  }
0x126: {  	_ = 	snop  }
0x127: {  	[tilespmem:s15], [sflag:$0x1] =	stream.indirect.gather [hbm4b:s3+s6], $0x10, s16, s6, $0xb8;
	[tilespmem:$0x11000] =	vst v63  }
0x128: {  	_ =	swait.ge [sflag:s7], $0x800  }
0x129: {  	[sflag:s7] =	ssyncset.done $0x0  }
0x12a: {  	[sflag:s7] =	ssyncadd.s32 $0xFFFFF800  }
0x12b: {  	_ =	swait.ge [sflag:s7], $0x800  }
0x12c: {  	[sflag:s7] =	ssyncset.done $0x0  }
0x12d: {  	[sflag:s7] =	ssyncadd.s32 $0xFFFFF800  }
0x12e: {  	_ =	swait.ge [sflag:s7], $0x800  }
0x12f: {  	[sflag:s7] =	ssyncset.done $0x0  }
0x130: {  	[sflag:s7] =	ssyncadd.s32 $0xFFFFF800  }
0x131: {  	_ =	swait.ge [sflag:s7], $0x800  }
0x132: {  	[sflag:s7] =	ssyncset.done $0x0  }
0x133: {  	[sflag:s7] =	ssyncadd.s32 $0xFFFFF800  }
0x134: {  	_ =	swait.ge [sflag:s7], $0x800  }
0x135: {  	[sflag:s7] =	ssyncset.done $0x0  }
0x136: {  	[sflag:s7] =	ssyncadd.s32 $0xFFFFF800  }
0x137: {  	_ =	swait.ge [sflag:s7], $0x800  }
0x138: {  	[sflag:s7] =	ssyncset.done $0x0  }
0x139: {  	[sflag:s7] =	ssyncadd.s32 $0xFFFFF800  }
0x13a: {  	_ =	swait.ge [sflag:s7], $0x800  }
0x13b: {  	[sflag:s7] =	ssyncset.done $0x0  }
0x13c: {  	[sflag:s7] =	ssyncadd.s32 $0xFFFFF800  }
0x13d: {  	_ =	swait.ge [sflag:s7], $0x800  }
0x13e: {  	s9 =	sld [smem:$0x7F5]  }
0x13f: {  	s15 =	sld [smem:$0x7F6]  }
0x140: {  	s16 =	sld [smem:$0x7F7]  }
0x141: {  	s11 =	sld [smem:$0x7F8]  }
0x142: {  	[sflag:s7] =	ssyncset.done $0x0;
	s12 =	sld [smem:$0x7F9]  }
0x143: {  	s13 =	sld [smem:$0x7FA];
	[sflag:s7] =	ssyncadd.s32 $0xFFFFF800  }
0x144: {  	[tilespmem:s11], [sflag:$0x1] =	stream.indirect.gather [hbm4b:s3+s6], $0x10, s15, s6, $0xb8;
	[tilespmem:$0x11000] =	vst v63  }
0x145: {  	s14 =	sld [smem:$0x7FB]  }
0x146: {  	[tilespmem:s9], [sflag:$0x1] =	stream.indirect.gather [hbm4b:s3+s6], $0x10, s12, s6, $0xb8;
	[tilespmem:$0x11000] =	vst v63  }
0x147: {  	s15 =	sld [smem:$0x7FC]  }
0x148: {  	[tilespmem:s16], [sflag:$0x1] =	stream.indirect.gather [hbm4b:s3+s6], $0x10, s13, s6, $0xb8;
	[tilespmem:$0x11000] =	vst v63  }
0x149: {  	s16 =	sld [smem:$0x7FD]  }
0x14a: {  	[tilespmem:s15], [sflag:$0x1] =	stream.indirect.gather [hbm4b:s3+s6], $0x10, s14, s6, $0xb8;
	[tilespmem:$0x11000] =	vst v63  }
0x14b: {  	s8 =	simm.s32 $0xB000  }
0x14c: {  	[tilespmem:s8], [sflag:$0x1] =	stream.indirect.gather [hbm4b:s3+s6], $0x10, s16, s6, $0xb8;
	[tilespmem:$0x11000] =	vst v63  }
0x14d: {  	s10 =	simm.s32 $0xB800;
	s9 =	simm.s32 $0xA80  }
0x14e: {  	[tilespmem:s10], [sflag:$0x1] =	stream.indirect.gather [hbm4b:s3+s6], $0x10, s9, s6, $0xb8;
	[tilespmem:$0x11000] =	vst v63  }
0x14f: {  	s11 =	simm.s32 $0xB00;
	s12 =	simm.s32 $0xC000  }
0x150: {  	[tilespmem:s12], [sflag:$0x1] =	stream.indirect.gather [hbm4b:s3+s6], $0x10, s11, s6, $0xb8;
	[tilespmem:$0x11000] =	vst v63  }
0x151: {  	s13 =	simm.s32 $0xB80;
	s14 =	simm.s32 $0xC800  }
0x152: {  	[tilespmem:s14], [sflag:$0x1] =	stream.indirect.gather [hbm4b:s3+s6], $0x10, s13, s6, $0xb8;
	[tilespmem:$0x11000] =	vst v63  }
0x153: {  	_ =	swait.ge [sflag:s7], $0x800  }
0x154: {  	[sflag:s7] =	ssyncset.done $0x0  }
0x155: {  	[sflag:s7] =	ssyncadd.s32 $0xFFFFF800  }
0x156: {  	_ =	swait.ge [sflag:s7], $0x800  }
0x157: {  	[sflag:s7] =	ssyncset.done $0x0  }
0x158: {  	[sflag:s7] =	ssyncadd.s32 $0xFFFFF800  }
0x159: {  	_ =	swait.ge [sflag:s7], $0x800  }
0x15a: {  	[sflag:s7] =	ssyncset.done $0x0  }
0x15b: {  	[sflag:s7] =	ssyncadd.s32 $0xFFFFF800  }
0x15c: {  	_ =	swait.ge [sflag:s7], $0x800  }
0x15d: {  	[sflag:s7] =	ssyncset.done $0x0  }
0x15e: {  	[sflag:s7] =	ssyncadd.s32 $0xFFFFF800  }
0x15f: {  	_ =	swait.ge [sflag:s7], $0x800  }
0x160: {  	[sflag:s7] =	ssyncset.done $0x0  }
0x161: {  	[sflag:s7] =	ssyncadd.s32 $0xFFFFF800  }
0x162: {  	_ =	swait.ge [sflag:s7], $0x800  }
0x163: {  	[sflag:s7] =	ssyncset.done $0x0  }
0x164: {  	[sflag:s7] =	ssyncadd.s32 $0xFFFFF800  }
0x165: {  	_ =	swait.ge [sflag:s7], $0x800  }
0x166: {  	[sflag:s7] =	ssyncset.done $0x0  }
0x167: {  	[sflag:s7] =	ssyncadd.s32 $0xFFFFF800  }
0x168: {  	_ =	swait.ge [sflag:s7], $0x800  }
0x169: {  	[sflag:s7] =	ssyncset.done $0x0  }
0x16a: {  	s15 =	simm.s32 $0xC00;
	s16 =	simm.s32 $0xD000;
	[sflag:s7] =	ssyncadd.s32 $0xFFFFF800  }
0x16b: {  	[tilespmem:s16], [sflag:$0x1] =	stream.indirect.gather [hbm4b:s3+s6], $0x10, s15, s6, $0xb8;
	[tilespmem:$0x11000] =	vst v63  }
0x16c: {  	_ = 	snop  }
0x16d: {  	[tilespmem:s18], [sflag:$0x1] =	stream.indirect.gather [hbm4b:s3+s6], $0x10, s17, s6, $0xb8;
	[tilespmem:$0x11000] =	vst v63  }
0x16e: {  	_ = 	snop  }
0x16f: {  	[tilespmem:s20], [sflag:$0x1] =	stream.indirect.gather [hbm4b:s3+s6], $0x10, s19, s6, $0xb8;
	[tilespmem:$0x11000] =	vst v63  }
0x170: {  	_ = 	snop  }
0x171: {  	[tilespmem:s22], [sflag:$0x1] =	stream.indirect.gather [hbm4b:s3+s6], $0x10, s21, s6, $0xb8;
	[tilespmem:$0x11000] =	vst v63  }
0x172: {  	_ = 	snop  }
0x173: {  	[tilespmem:s24], [sflag:$0x1] =	stream.indirect.gather [hbm4b:s3+s6], $0x10, s23, s6, $0xb8;
	[tilespmem:$0x11000] =	vst v63  }
0x174: {  	_ = 	snop  }
0x175: {  	[tilespmem:s26], [sflag:$0x1] =	stream.indirect.gather [hbm4b:s3+s6], $0x10, s25, s6, $0xb8;
	[tilespmem:$0x11000] =	vst v63  }
0x176: {  	_ = 	snop  }
0x177: {  	[tilespmem:s29], [sflag:$0x1] =	stream.indirect.gather [hbm4b:s3+s6], $0x10, s28, s6, $0xb8;
	[tilespmem:$0x11000] =	vst v63  }
0x178: {  	_ = 	snop  }
0x179: {  	[tilespmem:s31], [sflag:$0x1] =	stream.indirect.gather [hbm4b:s3+s6], $0x10, s30, s6, $0xb8;
	[tilespmem:$0x11000] =	vst v63  }
0x17a: {  	_ =	swait.ge [sflag:s7], $0x800  }
0x17b: {  	[sflag:s7] =	ssyncset.done $0x0  }
0x17c: {  	[sflag:s7] =	ssyncadd.s32 $0xFFFFF800  }
0x17d: {  	_ =	swait.ge [sflag:s7], $0x800  }
0x17e: {  	[sflag:s7] =	ssyncset.done $0x0  }
0x17f: {  	[sflag:s7] =	ssyncadd.s32 $0xFFFFF800  }
0x180: {  	p0 =	sne.s32 s1, $0x1;
	_ =	swait.ge [sflag:s7], $0x800  }
.Ltmp1:
0x181: {  	[sflag:s7] =	ssyncset.done $0x0;
	(pc) =	sbr.rel @p0 .LBB2_1-.Ltmp1, $4  }
0x182: {  	[sflag:s7] =	ssyncadd.s32 $0xFFFFF800  }
0x183: {  	_ =	swait.ge [sflag:s7], $0x800  }
0x184: {  	[sflag:s7] =	ssyncset.done $0x0  }
0x185: {  	s1 =	sadd.s32 $0xFFFFFFFF, s1;
	[sflag:s7] =	ssyncadd.s32 $0xFFFFF800  }
.LBB2_2:
0x186: {  	_ =	swait.ge [sflag:s7], $0x800  }
0x187: {  	[sflag:s7] =	ssyncset.done $0x0  }
0x188: {  	[sflag:s7] =	ssyncadd.s32 $0xFFFFF800  }
0x189: {  	_ =	swait.ge [sflag:s7], $0x800  }
0x18a: {  	[sflag:s7] =	ssyncset.done $0x0  }
0x18b: {  	[sflag:s7] =	ssyncadd.s32 $0xFFFFF800  }
0x18c: {  	_ =	swait.ge [sflag:s7], $0x800  }
0x18d: {  	[sflag:s7] =	ssyncset.done $0x0  }
0x18e: {  	[sflag:s7] =	ssyncadd.s32 $0xFFFFF800  }
0x18f: {  	_ =	swait.ge [sflag:s7], $0x800  }
0x190: {  	[sflag:s7] =	ssyncset.done $0x0  }
0x191: {  	s0 =	rddreg [dreg:$0x4];
	[sflag:s7] =	ssyncadd.s32 $0xFFFFF800  }
0x192: {  	[hbm4b:s0+s2] =	stream.linear.scatter [tilespmem:s5], [sflag:$0x2], $0x10000, $0x38;
	[tilespmem:$0x11000] =	vst v63  }
0x193: {  	_ =	swait.ge [sflag:s4], $0x10000  }
0x194: {  	[sflag:s4] =	ssyncset.done $0x0  }
0x195: {  	[sflag:s4] =	ssyncadd.s32 $0xFFFF0000  }
0x196: {  	_ =	sfence.sel $0x180000  }
0x197: {  	[bflag:$0x0] =	sbarrier.arrive $0xFFFF  }
0x198: {  	_ =	strace $0x90000047  }
0x199: {  	s31 =	stileid.u32;
	[bflag:$0x2] =	sbarrier.arrive $0xFFFF  }
0x19a: {  	p0 =	sne.s32 s31, $0x0;
	s0 =	rddreg [dreg:$0x2]  }
0x19b: {  	s0 =	sadd.s32 @!p0 $0x100000, s0  }
0x19c: {  	[sflag:s0] =	ssyncadd.tile.s32 @!p0 $0x1;
	_ =	shalt  }
.Lfunc_end2:
_tile_overlayer_lowered:
.L_overlay_start_2:
0x19d: {  	(tag) =	ssettag $0x2  }
0x19e: {  	s0 =	rddreg [dreg:$0x0];
	s2 =	stileid.u32  }
0x19f: {  	s1 =	rddreg [dreg:$0x1];
	p0 =	sne.s32 s2, $0x0  }
0x1a0: {  	s3 =	rddreg [dreg:$0x2];
	[bflag:$0x3] =	sbarrier.arrive $0xFFFF;
	s2 =	simm.s32 @!p0 $0x1C02  }
0x1a1: {  	[timem:s3], [sflag:s2] =	dma.local @!p0 [hbm:s0], s1  }
0x1a2: {  	s0 =	simm.s32 @!p0 $0x2  }
0x1a3: {  	_ =	swait.ge @!p0 [sflag:s0], s1  }
0x1a4: {  	s1 =	ssub.s32 @!p0 $0x0, s1;
	[sflag:s0] =	ssyncset.done @!p0 $0x0  }
0x1a5: {  	[sflag:s0] =	ssyncadd.s32 @!p0 s1  }
0x1a6: {  	[bflag:$0x3] =	sbarrier.arrive $0xFFFF  }
0x1a7: {  	_ =	shalt  }

</sc_bundles>
